<compile_context>
chip_gen: v7x
topology: tpu7x:2x2x1
jax: 0.10.2.dev20260603
libtpu: 0.0.44.dev20260713+nightly
codegen_flags: <defaults>
</compile_context>

<pallas_src>
import functools

import jax
import jax.numpy as jnp
from jax import lax
from jax.experimental import pallas as pl
from jax.experimental.pallas import tpu as pltpu
from jax.experimental.pallas import tpu_sc as plsc

V = 1000000
D = 32
B = 4096
S = 200
N = B * S

NC = 2
NS = 16
NW = NC * NS

BW = B // NW
SCH = 5
CHUNKS = S // SCH
ROWS = SCH * BW

_mesh = plsc.VectorSubcoreMesh(core_axis_name="c", subcore_axis_name="s")


@functools.partial(
    pl.kernel,
    out_type=(
        jax.ShapeDtypeStruct((S, D, B), jnp.float32),
        jax.ShapeDtypeStruct((S, D, B), jnp.float32),
    ),
    mesh=_mesh,
    compiler_params=pltpu.CompilerParams(use_tc_tiling_on_sc=False, needs_layout_passes=False),
    scratch_types=[
        pltpu.VMEM((SCH, BW), jnp.int32),
        pltpu.VMEM((SCH, BW), jnp.int32),
        pltpu.VMEM((2 * ROWS, D), jnp.float32),
        pltpu.VMEM((2 * ROWS, D), jnp.float32),
        pltpu.VMEM((SCH, D, BW + 1), jnp.float32),
        pltpu.VMEM((SCH, D, BW + 1), jnp.float32),
        pltpu.SemaphoreType.DMA,
        pltpu.SemaphoreType.DMA,
        pltpu.SemaphoreType.DMA,
        pltpu.SemaphoreType.DMA,
    ],
)
def _sc_gather(xt, wr, wi, out_r, out_i, idx_a, idx_b, rows_a, rows_b,
               obuf_r, obuf_i, rsem, isem, orsem, oisem):
    wid = lax.axis_index("s") * NC + lax.axis_index("c")
    b0 = wid * BW

    lane = lax.iota(jnp.int32, 16)

    def transpose_block(obuf, rows, base):
        def col(bb, carry):
            bv = lane * 0 + bb
            for j in range(SCH):
                jv = jnp.full((16,), j, jnp.int32)
                for dh in range(D // 16):
                    vals = rows[base + j * BW + bb, pl.ds(dh * 16, 16)]
                    plsc.store_scatter(obuf, [jv, dh * 16 + lane, bv], vals)
            return carry
        lax.fori_loop(0, BW, col, 0)

    def stage_fire(c, idx, rows):
        s0 = c * SCH
        pltpu.sync_copy(xt.at[pl.ds(s0, SCH), pl.ds(b0, BW)], idx)
        for j in range(SCH):
            pltpu.async_copy(wr.at[idx.at[j]],
                             rows.at[pl.ds(j * BW, BW)], rsem)
            pltpu.async_copy(wi.at[idx.at[j]],
                             rows.at[pl.ds(ROWS + j * BW, BW)], isem)

    def drain_rows(w, idx, rows, base, sem):
        for j in range(SCH):
            pltpu.make_async_copy(w.at[idx.at[j]],
                                  rows.at[pl.ds(base + j * BW, BW)],
                                  sem).wait()

    def out_copy(obuf, out, s0, sem):
        return pltpu.make_async_copy(
            obuf.at[:, :, pl.ds(0, BW)],
            out.at[pl.ds(s0, SCH), :, pl.ds(b0, BW)], sem)

    def consume(c, idx, rows):
        s0 = c * SCH
        @pl.when(c > 0)
        def _():
            out_copy(obuf_r, out_r, s0 - SCH, orsem).wait()
            out_copy(obuf_i, out_i, s0 - SCH, oisem).wait()
        drain_rows(wr, idx, rows, 0, rsem)
        transpose_block(obuf_r, rows, 0)
        out_copy(obuf_r, out_r, s0, orsem).start()
        drain_rows(wi, idx, rows, ROWS, isem)
        transpose_block(obuf_i, rows, ROWS)
        out_copy(obuf_i, out_i, s0, oisem).start()

    stage_fire(0, idx_a, rows_a)

    def two(it, carry):
        c0 = it * 2
        stage_fire(c0 + 1, idx_b, rows_b)
        consume(c0, idx_a, rows_a)

        @pl.when(c0 + 2 < CHUNKS)
        def _():
            stage_fire(c0 + 2, idx_a, rows_a)
        consume(c0 + 1, idx_b, rows_b)
        return carry

    lax.fori_loop(0, CHUNKS // 2, two, 0)
    s_last = (CHUNKS - 1) * SCH
    out_copy(obuf_r, out_r, s_last, orsem).wait()
    out_copy(obuf_i, out_i, s_last, oisem).wait()


def kernel(x, W_real, W_imag):
    xt = x.T
    r, i = _sc_gather(xt, W_real, W_imag)
    r3 = jnp.transpose(r, (2, 0, 1))
    i3 = jnp.transpose(i, (2, 0, 1))
    return lax.complex(r3, i3)

# --- scband reference (transcript-rebuilt; emitter-appended) ---
"""Pipeline reference for scband-complex-embedding-48172353192311 (READ-ONLY COPY).

The authoritative reference and input builder live on the scoring server;
editing this copy changes nothing except your own understanding.
"""

import jax, jax.numpy as jnp
import numpy as np
import math

V = 1000000
D = 32
B = 4096
S = 200


def setup_inputs(seed: int = 0) -> dict:
    key = jax.random.key(seed)
    k1, k2, k3 = jax.random.split(key, 3)
    # complex kaiming init: Var(Re) = Var(Im) = 1/(2*fan_in), fan_in = D
    std = 1.0 / math.sqrt(2.0 * D)
    W_real = jax.random.normal(k1, (V, D), dtype=jnp.float32) * std
    W_imag = jax.random.normal(k2, (V, D), dtype=jnp.float32) * std
    x = jax.random.randint(k3, (B, S), 0, V, dtype=jnp.int32)
    return {"x": x, "W_real": W_real, "W_imag": W_imag}


def reference(x, W_real, W_imag):
    # ComplexEmbedding.forward: self.weight[x] with weight dtype cfloat
    W = jax.lax.complex(W_real, W_imag)  # (V, D) complex64
    return jnp.take(W, x, axis=0)  # (B, S, D) complex64

if __name__ == "__main__":
    import jax
    _d = setup_inputs()
    print(jax.jit(kernel)(*tuple(_d.values())))

</pallas_src>

<mosaic_0001>
#map = affine_map<(d0, d1) -> (0, 0)>
#map1 = affine_map<(d0, d1) -> (0, 0, 0)>
module attributes {stable_mosaic.version = 14 : i64} {
  func.func @_sc_gather(%arg0: i32, %arg1: i32, %arg2: memref<200x4096xi32, #tpu.memory_space<hbm>>, %arg3: memref<1000000x32xf32, #tpu.memory_space<hbm>>, %arg4: memref<1000000x32xf32, #tpu.memory_space<hbm>>, %arg5: memref<200x32x4096xf32, #tpu.memory_space<hbm>>, %arg6: memref<200x32x4096xf32, #tpu.memory_space<hbm>>, %arg7: memref<5x128xi32, #tpu.memory_space<vmem>>, %arg8: memref<5x128xi32, #tpu.memory_space<vmem>>, %arg9: memref<1280x32xf32, #tpu.memory_space<vmem>>, %arg10: memref<1280x32xf32, #tpu.memory_space<vmem>>, %arg11: memref<5x32x129xf32, #tpu.memory_space<vmem>>, %arg12: memref<5x32x129xf32, #tpu.memory_space<vmem>>, %arg13: memref<!tpu.dma_semaphore, #tpu.memory_space<semaphore_mem>>, %arg14: memref<!tpu.dma_semaphore, #tpu.memory_space<semaphore_mem>>, %arg15: memref<!tpu.dma_semaphore, #tpu.memory_space<semaphore_mem>>, %arg16: memref<!tpu.dma_semaphore, #tpu.memory_space<semaphore_mem>>) attributes {dimension_semantics = [#tpu.dimension_semantics<core_parallel>, #tpu.dimension_semantics<subcore_parallel>], iteration_bounds = array<i64: 2, 16>, scalar_prefetch = 0 : i64, scratch_operands = 10 : i64, tpu.core_type = #tpu.core_type<sc_vector_subcore>, window_params = [{transform_indices = #map}, {transform_indices = #map}, {transform_indices = #map}, {transform_indices = #map1}, {transform_indices = #map1}]} {
    %mul3A = arith.constant 2 : i32
    %mul3A_0 = arith.muli %arg1, %mul3A : i32
    %add3A = arith.addi %mul3A_0, %arg0 : i32
    %mul3A_1 = arith.constant 128 : i32
    %mul3A_2 = arith.muli %add3A, %mul3A_1 : i32
    %iota3A = tpu.iota {dimensions = array<i32: 0>} : vector<16xi32>
    "tpu.region"() ({
      %run_scoped3A = tpu.sem_alloc : memref<!tpu.dma_semaphore, #tpu.memory_space<semaphore_mem>>
      %dma_start3A_134 = arith.constant 0 : i32
      %dma_start3A_135 = tpu.memref_slice %arg2[%dma_start3A_134, %mul3A_2] : memref<200x4096xi32, #tpu.memory_space<hbm>> -> memref<5x128xi32, #tpu.memory_space<hbm>>
      %dma_start3A_136 = arith.constant 0 : i32
      %dma_start3A_137 = tpu.memref_slice %arg2[%dma_start3A_136, %mul3A_2] : memref<200x4096xi32, #tpu.memory_space<hbm>> -> memref<5x128xi32, #tpu.memory_space<hbm>>
      tpu.enqueue_dma source(%dma_start3A_137 : memref<5x128xi32, #tpu.memory_space<hbm>>) target(%arg7 : memref<5x128xi32, #tpu.memory_space<vmem>>) target_semaphore(%run_scoped3A : memref<!tpu.dma_semaphore, #tpu.memory_space<semaphore_mem>>)
      %dma_wait3A_138 = arith.constant 0 : i32
      %dma_wait3A_139 = tpu.memref_slice %arg2[%dma_wait3A_138, %mul3A_2] : memref<200x4096xi32, #tpu.memory_space<hbm>> -> memref<5x128xi32, #tpu.memory_space<hbm>>
      %dma_wait3A_140 = arith.constant 0 : i32
      %dma_wait3A_141 = tpu.memref_slice %arg2[%dma_wait3A_140, %mul3A_2] : memref<200x4096xi32, #tpu.memory_space<hbm>> -> memref<5x128xi32, #tpu.memory_space<hbm>>
      tpu.wait_dma2 semaphore(%run_scoped3A : memref<!tpu.dma_semaphore, #tpu.memory_space<semaphore_mem>>) src(%dma_wait3A_141 : memref<5x128xi32, #tpu.memory_space<hbm>>) dst(%arg7 : memref<5x128xi32, #tpu.memory_space<vmem>>)
      tpu.yield
    }) : () -> ()
    %dma_start3A = arith.constant 0 : i32
    %dma_start3A_3 = arith.constant 0 : i32
    %dma_start3A_4 = arith.constant 0 : i32
    %dma_start3A_5 = tpu.memref_slice %arg9[%dma_start3A_3, %dma_start3A_4] : memref<1280x32xf32, #tpu.memory_space<vmem>> -> memref<128x32xf32, #tpu.memory_space<vmem>>
    %dma_start3A_6 = arith.constant 0 : i32
    %dma_start3A_7 = tpu.memref_slice %arg7[%dma_start3A, %dma_start3A_6] : memref<5x128xi32, #tpu.memory_space<vmem>> -> memref<1x128xi32, #tpu.memory_space<vmem>>
    %dma_start3A_8 = tpu.memref_squeeze %dma_start3A_7 : memref<1x128xi32, #tpu.memory_space<vmem>> -> memref<128xi32, #tpu.memory_space<vmem>>
    %dma_start3A_9 = arith.constant 0 : i32
    %dma_start3A_10 = arith.constant 0 : i32
    %dma_start3A_11 = tpu.memref_slice %arg3[%dma_start3A_9, %dma_start3A_10] : memref<1000000x32xf32, #tpu.memory_space<hbm>> -> memref<1000000x32xf32, #tpu.memory_space<hbm>>
    tpu.enqueue_indirect_dma source(%dma_start3A_11 : memref<1000000x32xf32, #tpu.memory_space<hbm>>) target(%dma_start3A_5 : memref<128x32xf32, #tpu.memory_space<vmem>>) offsets(%dma_start3A_8 : memref<128xi32, #tpu.memory_space<vmem>>) semaphore(%arg13 : memref<!tpu.dma_semaphore, #tpu.memory_space<semaphore_mem>>)
    %dma_start3A_12 = arith.constant 0 : i32
    %dma_start3A_13 = arith.constant 640 : i32
    %dma_start3A_14 = arith.constant 0 : i32
    %dma_start3A_15 = tpu.memref_slice %arg9[%dma_start3A_13, %dma_start3A_14] : memref<1280x32xf32, #tpu.memory_space<vmem>> -> memref<128x32xf32, #tpu.memory_space<vmem>>
    %dma_start3A_16 = arith.constant 0 : i32
    %dma_start3A_17 = tpu.memref_slice %arg7[%dma_start3A_12, %dma_start3A_16] : memref<5x128xi32, #tpu.memory_space<vmem>> -> memref<1x128xi32, #tpu.memory_space<vmem>>
    %dma_start3A_18 = tpu.memref_squeeze %dma_start3A_17 : memref<1x128xi32, #tpu.memory_space<vmem>> -> memref<128xi32, #tpu.memory_space<vmem>>
    %dma_start3A_19 = arith.constant 0 : i32
    %dma_start3A_20 = arith.constant 0 : i32
    %dma_start3A_21 = tpu.memref_slice %arg4[%dma_start3A_19, %dma_start3A_20] : memref<1000000x32xf32, #tpu.memory_space<hbm>> -> memref<1000000x32xf32, #tpu.memory_space<hbm>>
    tpu.enqueue_indirect_dma source(%dma_start3A_21 : memref<1000000x32xf32, #tpu.memory_space<hbm>>) target(%dma_start3A_15 : memref<128x32xf32, #tpu.memory_space<vmem>>) offsets(%dma_start3A_18 : memref<128xi32, #tpu.memory_space<vmem>>) semaphore(%arg14 : memref<!tpu.dma_semaphore, #tpu.memory_space<semaphore_mem>>)
    %dma_start3A_22 = arith.constant 1 : i32
    %dma_start3A_23 = arith.constant 128 : i32
    %dma_start3A_24 = arith.constant 0 : i32
    %dma_start3A_25 = tpu.memref_slice %arg9[%dma_start3A_23, %dma_start3A_24] : memref<1280x32xf32, #tpu.memory_space<vmem>> -> memref<128x32xf32, #tpu.memory_space<vmem>>
    %dma_start3A_26 = arith.constant 0 : i32
    %dma_start3A_27 = tpu.memref_slice %arg7[%dma_start3A_22, %dma_start3A_26] : memref<5x128xi32, #tpu.memory_space<vmem>> -> memref<1x128xi32, #tpu.memory_space<vmem>>
    %dma_start3A_28 = tpu.memref_squeeze %dma_start3A_27 : memref<1x128xi32, #tpu.memory_space<vmem>> -> memref<128xi32, #tpu.memory_space<vmem>>
    %dma_start3A_29 = arith.constant 0 : i32
    %dma_start3A_30 = arith.constant 0 : i32
    %dma_start3A_31 = tpu.memref_slice %arg3[%dma_start3A_29, %dma_start3A_30] : memref<1000000x32xf32, #tpu.memory_space<hbm>> -> memref<1000000x32xf32, #tpu.memory_space<hbm>>
    tpu.enqueue_indirect_dma source(%dma_start3A_31 : memref<1000000x32xf32, #tpu.memory_space<hbm>>) target(%dma_start3A_25 : memref<128x32xf32, #tpu.memory_space<vmem>>) offsets(%dma_start3A_28 : memref<128xi32, #tpu.memory_space<vmem>>) semaphore(%arg13 : memref<!tpu.dma_semaphore, #tpu.memory_space<semaphore_mem>>)
    %dma_start3A_32 = arith.constant 1 : i32
    %dma_start3A_33 = arith.constant 768 : i32
    %dma_start3A_34 = arith.constant 0 : i32
    %dma_start3A_35 = tpu.memref_slice %arg9[%dma_start3A_33, %dma_start3A_34] : memref<1280x32xf32, #tpu.memory_space<vmem>> -> memref<128x32xf32, #tpu.memory_space<vmem>>
    %dma_start3A_36 = arith.constant 0 : i32
    %dma_start3A_37 = tpu.memref_slice %arg7[%dma_start3A_32, %dma_start3A_36] : memref<5x128xi32, #tpu.memory_space<vmem>> -> memref<1x128xi32, #tpu.memory_space<vmem>>
    %dma_start3A_38 = tpu.memref_squeeze %dma_start3A_37 : memref<1x128xi32, #tpu.memory_space<vmem>> -> memref<128xi32, #tpu.memory_space<vmem>>
    %dma_start3A_39 = arith.constant 0 : i32
    %dma_start3A_40 = arith.constant 0 : i32
    %dma_start3A_41 = tpu.memref_slice %arg4[%dma_start3A_39, %dma_start3A_40] : memref<1000000x32xf32, #tpu.memory_space<hbm>> -> memref<1000000x32xf32, #tpu.memory_space<hbm>>
    tpu.enqueue_indirect_dma source(%dma_start3A_41 : memref<1000000x32xf32, #tpu.memory_space<hbm>>) target(%dma_start3A_35 : memref<128x32xf32, #tpu.memory_space<vmem>>) offsets(%dma_start3A_38 : memref<128xi32, #tpu.memory_space<vmem>>) semaphore(%arg14 : memref<!tpu.dma_semaphore, #tpu.memory_space<semaphore_mem>>)
    %dma_start3A_42 = arith.constant 2 : i32
    %dma_start3A_43 = arith.constant 256 : i32
    %dma_start3A_44 = arith.constant 0 : i32
    %dma_start3A_45 = tpu.memref_slice %arg9[%dma_start3A_43, %dma_start3A_44] : memref<1280x32xf32, #tpu.memory_space<vmem>> -> memref<128x32xf32, #tpu.memory_space<vmem>>
    %dma_start3A_46 = arith.constant 0 : i32
    %dma_start3A_47 = tpu.memref_slice %arg7[%dma_start3A_42, %dma_start3A_46] : memref<5x128xi32, #tpu.memory_space<vmem>> -> memref<1x128xi32, #tpu.memory_space<vmem>>
    %dma_start3A_48 = tpu.memref_squeeze %dma_start3A_47 : memref<1x128xi32, #tpu.memory_space<vmem>> -> memref<128xi32, #tpu.memory_space<vmem>>
    %dma_start3A_49 = arith.constant 0 : i32
    %dma_start3A_50 = arith.constant 0 : i32
    %dma_start3A_51 = tpu.memref_slice %arg3[%dma_start3A_49, %dma_start3A_50] : memref<1000000x32xf32, #tpu.memory_space<hbm>> -> memref<1000000x32xf32, #tpu.memory_space<hbm>>
    tpu.enqueue_indirect_dma source(%dma_start3A_51 : memref<1000000x32xf32, #tpu.memory_space<hbm>>) target(%dma_start3A_45 : memref<128x32xf32, #tpu.memory_space<vmem>>) offsets(%dma_start3A_48 : memref<128xi32, #tpu.memory_space<vmem>>) semaphore(%arg13 : memref<!tpu.dma_semaphore, #tpu.memory_space<semaphore_mem>>)
    %dma_start3A_52 = arith.constant 2 : i32
    %dma_start3A_53 = arith.constant 896 : i32
    %dma_start3A_54 = arith.constant 0 : i32
    %dma_start3A_55 = tpu.memref_slice %arg9[%dma_start3A_53, %dma_start3A_54] : memref<1280x32xf32, #tpu.memory_space<vmem>> -> memref<128x32xf32, #tpu.memory_space<vmem>>
    %dma_start3A_56 = arith.constant 0 : i32
    %dma_start3A_57 = tpu.memref_slice %arg7[%dma_start3A_52, %dma_start3A_56] : memref<5x128xi32, #tpu.memory_space<vmem>> -> memref<1x128xi32, #tpu.memory_space<vmem>>
    %dma_start3A_58 = tpu.memref_squeeze %dma_start3A_57 : memref<1x128xi32, #tpu.memory_space<vmem>> -> memref<128xi32, #tpu.memory_space<vmem>>
    %dma_start3A_59 = arith.constant 0 : i32
    %dma_start3A_60 = arith.constant 0 : i32
    %dma_start3A_61 = tpu.memref_slice %arg4[%dma_start3A_59, %dma_start3A_60] : memref<1000000x32xf32, #tpu.memory_space<hbm>> -> memref<1000000x32xf32, #tpu.memory_space<hbm>>
    tpu.enqueue_indirect_dma source(%dma_start3A_61 : memref<1000000x32xf32, #tpu.memory_space<hbm>>) target(%dma_start3A_55 : memref<128x32xf32, #tpu.memory_space<vmem>>) offsets(%dma_start3A_58 : memref<128xi32, #tpu.memory_space<vmem>>) semaphore(%arg14 : memref<!tpu.dma_semaphore, #tpu.memory_space<semaphore_mem>>)
    %dma_start3A_62 = arith.constant 3 : i32
    %dma_start3A_63 = arith.constant 384 : i32
    %dma_start3A_64 = arith.constant 0 : i32
    %dma_start3A_65 = tpu.memref_slice %arg9[%dma_start3A_63, %dma_start3A_64] : memref<1280x32xf32, #tpu.memory_space<vmem>> -> memref<128x32xf32, #tpu.memory_space<vmem>>
    %dma_start3A_66 = arith.constant 0 : i32
    %dma_start3A_67 = tpu.memref_slice %arg7[%dma_start3A_62, %dma_start3A_66] : memref<5x128xi32, #tpu.memory_space<vmem>> -> memref<1x128xi32, #tpu.memory_space<vmem>>
    %dma_start3A_68 = tpu.memref_squeeze %dma_start3A_67 : memref<1x128xi32, #tpu.memory_space<vmem>> -> memref<128xi32, #tpu.memory_space<vmem>>
    %dma_start3A_69 = arith.constant 0 : i32
    %dma_start3A_70 = arith.constant 0 : i32
    %dma_start3A_71 = tpu.memref_slice %arg3[%dma_start3A_69, %dma_start3A_70] : memref<1000000x32xf32, #tpu.memory_space<hbm>> -> memref<1000000x32xf32, #tpu.memory_space<hbm>>
    tpu.enqueue_indirect_dma source(%dma_start3A_71 : memref<1000000x32xf32, #tpu.memory_space<hbm>>) target(%dma_start3A_65 : memref<128x32xf32, #tpu.memory_space<vmem>>) offsets(%dma_start3A_68 : memref<128xi32, #tpu.memory_space<vmem>>) semaphore(%arg13 : memref<!tpu.dma_semaphore, #tpu.memory_space<semaphore_mem>>)
    %dma_start3A_72 = arith.constant 3 : i32
    %dma_start3A_73 = arith.constant 1024 : i32
    %dma_start3A_74 = arith.constant 0 : i32
    %dma_start3A_75 = tpu.memref_slice %arg9[%dma_start3A_73, %dma_start3A_74] : memref<1280x32xf32, #tpu.memory_space<vmem>> -> memref<128x32xf32, #tpu.memory_space<vmem>>
    %dma_start3A_76 = arith.constant 0 : i32
    %dma_start3A_77 = tpu.memref_slice %arg7[%dma_start3A_72, %dma_start3A_76] : memref<5x128xi32, #tpu.memory_space<vmem>> -> memref<1x128xi32, #tpu.memory_space<vmem>>
    %dma_start3A_78 = tpu.memref_squeeze %dma_start3A_77 : memref<1x128xi32, #tpu.memory_space<vmem>> -> memref<128xi32, #tpu.memory_space<vmem>>
    %dma_start3A_79 = arith.constant 0 : i32
    %dma_start3A_80 = arith.constant 0 : i32
    %dma_start3A_81 = tpu.memref_slice %arg4[%dma_start3A_79, %dma_start3A_80] : memref<1000000x32xf32, #tpu.memory_space<hbm>> -> memref<1000000x32xf32, #tpu.memory_space<hbm>>
    tpu.enqueue_indirect_dma source(%dma_start3A_81 : memref<1000000x32xf32, #tpu.memory_space<hbm>>) target(%dma_start3A_75 : memref<128x32xf32, #tpu.memory_space<vmem>>) offsets(%dma_start3A_78 : memref<128xi32, #tpu.memory_space<vmem>>) semaphore(%arg14 : memref<!tpu.dma_semaphore, #tpu.memory_space<semaphore_mem>>)
    %dma_start3A_82 = arith.constant 4 : i32
    %dma_start3A_83 = arith.constant 512 : i32
    %dma_start3A_84 = arith.constant 0 : i32
    %dma_start3A_85 = tpu.memref_slice %arg9[%dma_start3A_83, %dma_start3A_84] : memref<1280x32xf32, #tpu.memory_space<vmem>> -> memref<128x32xf32, #tpu.memory_space<vmem>>
    %dma_start3A_86 = arith.constant 0 : i32
    %dma_start3A_87 = tpu.memref_slice %arg7[%dma_start3A_82, %dma_start3A_86] : memref<5x128xi32, #tpu.memory_space<vmem>> -> memref<1x128xi32, #tpu.memory_space<vmem>>
    %dma_start3A_88 = tpu.memref_squeeze %dma_start3A_87 : memref<1x128xi32, #tpu.memory_space<vmem>> -> memref<128xi32, #tpu.memory_space<vmem>>
    %dma_start3A_89 = arith.constant 0 : i32
    %dma_start3A_90 = arith.constant 0 : i32
    %dma_start3A_91 = tpu.memref_slice %arg3[%dma_start3A_89, %dma_start3A_90] : memref<1000000x32xf32, #tpu.memory_space<hbm>> -> memref<1000000x32xf32, #tpu.memory_space<hbm>>
    tpu.enqueue_indirect_dma source(%dma_start3A_91 : memref<1000000x32xf32, #tpu.memory_space<hbm>>) target(%dma_start3A_85 : memref<128x32xf32, #tpu.memory_space<vmem>>) offsets(%dma_start3A_88 : memref<128xi32, #tpu.memory_space<vmem>>) semaphore(%arg13 : memref<!tpu.dma_semaphore, #tpu.memory_space<semaphore_mem>>)
    %dma_start3A_92 = arith.constant 4 : i32
    %dma_start3A_93 = arith.constant 1152 : i32
    %dma_start3A_94 = arith.constant 0 : i32
    %dma_start3A_95 = tpu.memref_slice %arg9[%dma_start3A_93, %dma_start3A_94] : memref<1280x32xf32, #tpu.memory_space<vmem>> -> memref<128x32xf32, #tpu.memory_space<vmem>>
    %dma_start3A_96 = arith.constant 0 : i32
    %dma_start3A_97 = tpu.memref_slice %arg7[%dma_start3A_92, %dma_start3A_96] : memref<5x128xi32, #tpu.memory_space<vmem>> -> memref<1x128xi32, #tpu.memory_space<vmem>>
    %dma_start3A_98 = tpu.memref_squeeze %dma_start3A_97 : memref<1x128xi32, #tpu.memory_space<vmem>> -> memref<128xi32, #tpu.memory_space<vmem>>
    %dma_start3A_99 = arith.constant 0 : i32
    %dma_start3A_100 = arith.constant 0 : i32
    %dma_start3A_101 = tpu.memref_slice %arg4[%dma_start3A_99, %dma_start3A_100] : memref<1000000x32xf32, #tpu.memory_space<hbm>> -> memref<1000000x32xf32, #tpu.memory_space<hbm>>
    tpu.enqueue_indirect_dma source(%dma_start3A_101 : memref<1000000x32xf32, #tpu.memory_space<hbm>>) target(%dma_start3A_95 : memref<128x32xf32, #tpu.memory_space<vmem>>) offsets(%dma_start3A_98 : memref<128xi32, #tpu.memory_space<vmem>>) semaphore(%arg14 : memref<!tpu.dma_semaphore, #tpu.memory_space<semaphore_mem>>)
    %scan3A = arith.constant 0 : i32
    %scan3A_102 = arith.constant 0 : i32
    %scan3A_103 = arith.constant 20 : i32
    %scan3A_104 = arith.addi %scan3A_102, %scan3A_103 : i32
    %scan3A_105 = arith.constant 1 : i32
    scf.for %scan3A_134 = %scan3A_102 to %scan3A_104 step %scan3A_105  : i32 {
      %mul3A_135 = arith.constant 2 : i32
      %mul3A_136 = arith.muli %scan3A_134, %mul3A_135 : i32
      %add3A_137 = arith.constant 1 : i32
      %add3A_138 = arith.addi %mul3A_136, %add3A_137 : i32
      %mul3A_139 = arith.constant 5 : i32
      %mul3A_140 = arith.muli %add3A_138, %mul3A_139 : i32
      "tpu.region"() ({
        %run_scoped3A = tpu.sem_alloc : memref<!tpu.dma_semaphore, #tpu.memory_space<semaphore_mem>>
        %dma_start3A_532 = tpu.memref_slice %arg2[%mul3A_140, %mul3A_2] : memref<200x4096xi32, #tpu.memory_space<hbm>> -> memref<5x128xi32, #tpu.memory_space<hbm>>
        %dma_start3A_533 = tpu.memref_slice %arg2[%mul3A_140, %mul3A_2] : memref<200x4096xi32, #tpu.memory_space<hbm>> -> memref<5x128xi32, #tpu.memory_space<hbm>>
        tpu.enqueue_dma source(%dma_start3A_533 : memref<5x128xi32, #tpu.memory_space<hbm>>) target(%arg8 : memref<5x128xi32, #tpu.memory_space<vmem>>) target_semaphore(%run_scoped3A : memref<!tpu.dma_semaphore, #tpu.memory_space<semaphore_mem>>)
        %dma_wait3A_534 = tpu.memref_slice %arg2[%mul3A_140, %mul3A_2] : memref<200x4096xi32, #tpu.memory_space<hbm>> -> memref<5x128xi32, #tpu.memory_space<hbm>>
        %dma_wait3A_535 = tpu.memref_slice %arg2[%mul3A_140, %mul3A_2] : memref<200x4096xi32, #tpu.memory_space<hbm>> -> memref<5x128xi32, #tpu.memory_space<hbm>>
        tpu.wait_dma2 semaphore(%run_scoped3A : memref<!tpu.dma_semaphore, #tpu.memory_space<semaphore_mem>>) src(%dma_wait3A_535 : memref<5x128xi32, #tpu.memory_space<hbm>>) dst(%arg8 : memref<5x128xi32, #tpu.memory_space<vmem>>)
        tpu.yield
      }) : () -> ()
      %dma_start3A_141 = arith.constant 0 : i32
      %dma_start3A_142 = arith.constant 0 : i32
      %dma_start3A_143 = arith.constant 0 : i32
      %dma_start3A_144 = tpu.memref_slice %arg10[%dma_start3A_142, %dma_start3A_143] : memref<1280x32xf32, #tpu.memory_space<vmem>> -> memref<128x32xf32, #tpu.memory_space<vmem>>
      %dma_start3A_145 = arith.constant 0 : i32
      %dma_start3A_146 = tpu.memref_slice %arg8[%dma_start3A_141, %dma_start3A_145] : memref<5x128xi32, #tpu.memory_space<vmem>> -> memref<1x128xi32, #tpu.memory_space<vmem>>
      %dma_start3A_147 = tpu.memref_squeeze %dma_start3A_146 : memref<1x128xi32, #tpu.memory_space<vmem>> -> memref<128xi32, #tpu.memory_space<vmem>>
      %dma_start3A_148 = arith.constant 0 : i32
      %dma_start3A_149 = arith.constant 0 : i32
      %dma_start3A_150 = tpu.memref_slice %arg3[%dma_start3A_148, %dma_start3A_149] : memref<1000000x32xf32, #tpu.memory_space<hbm>> -> memref<1000000x32xf32, #tpu.memory_space<hbm>>
      tpu.enqueue_indirect_dma source(%dma_start3A_150 : memref<1000000x32xf32, #tpu.memory_space<hbm>>) target(%dma_start3A_144 : memref<128x32xf32, #tpu.memory_space<vmem>>) offsets(%dma_start3A_147 : memref<128xi32, #tpu.memory_space<vmem>>) semaphore(%arg13 : memref<!tpu.dma_semaphore, #tpu.memory_space<semaphore_mem>>)
      %dma_start3A_151 = arith.constant 0 : i32
      %dma_start3A_152 = arith.constant 640 : i32
      %dma_start3A_153 = arith.constant 0 : i32
      %dma_start3A_154 = tpu.memref_slice %arg10[%dma_start3A_152, %dma_start3A_153] : memref<1280x32xf32, #tpu.memory_space<vmem>> -> memref<128x32xf32, #tpu.memory_space<vmem>>
      %dma_start3A_155 = arith.constant 0 : i32
      %dma_start3A_156 = tpu.memref_slice %arg8[%dma_start3A_151, %dma_start3A_155] : memref<5x128xi32, #tpu.memory_space<vmem>> -> memref<1x128xi32, #tpu.memory_space<vmem>>
      %dma_start3A_157 = tpu.memref_squeeze %dma_start3A_156 : memref<1x128xi32, #tpu.memory_space<vmem>> -> memref<128xi32, #tpu.memory_space<vmem>>
      %dma_start3A_158 = arith.constant 0 : i32
      %dma_start3A_159 = arith.constant 0 : i32
      %dma_start3A_160 = tpu.memref_slice %arg4[%dma_start3A_158, %dma_start3A_159] : memref<1000000x32xf32, #tpu.memory_space<hbm>> -> memref<1000000x32xf32, #tpu.memory_space<hbm>>
      tpu.enqueue_indirect_dma source(%dma_start3A_160 : memref<1000000x32xf32, #tpu.memory_space<hbm>>) target(%dma_start3A_154 : memref<128x32xf32, #tpu.memory_space<vmem>>) offsets(%dma_start3A_157 : memref<128xi32, #tpu.memory_space<vmem>>) semaphore(%arg14 : memref<!tpu.dma_semaphore, #tpu.memory_space<semaphore_mem>>)
      %dma_start3A_161 = arith.constant 1 : i32
      %dma_start3A_162 = arith.constant 128 : i32
      %dma_start3A_163 = arith.constant 0 : i32
      %dma_start3A_164 = tpu.memref_slice %arg10[%dma_start3A_162, %dma_start3A_163] : memref<1280x32xf32, #tpu.memory_space<vmem>> -> memref<128x32xf32, #tpu.memory_space<vmem>>
      %dma_start3A_165 = arith.constant 0 : i32
      %dma_start3A_166 = tpu.memref_slice %arg8[%dma_start3A_161, %dma_start3A_165] : memref<5x128xi32, #tpu.memory_space<vmem>> -> memref<1x128xi32, #tpu.memory_space<vmem>>
      %dma_start3A_167 = tpu.memref_squeeze %dma_start3A_166 : memref<1x128xi32, #tpu.memory_space<vmem>> -> memref<128xi32, #tpu.memory_space<vmem>>
      %dma_start3A_168 = arith.constant 0 : i32
      %dma_start3A_169 = arith.constant 0 : i32
      %dma_start3A_170 = tpu.memref_slice %arg3[%dma_start3A_168, %dma_start3A_169] : memref<1000000x32xf32, #tpu.memory_space<hbm>> -> memref<1000000x32xf32, #tpu.memory_space<hbm>>
      tpu.enqueue_indirect_dma source(%dma_start3A_170 : memref<1000000x32xf32, #tpu.memory_space<hbm>>) target(%dma_start3A_164 : memref<128x32xf32, #tpu.memory_space<vmem>>) offsets(%dma_start3A_167 : memref<128xi32, #tpu.memory_space<vmem>>) semaphore(%arg13 : memref<!tpu.dma_semaphore, #tpu.memory_space<semaphore_mem>>)
      %dma_start3A_171 = arith.constant 1 : i32
      %dma_start3A_172 = arith.constant 768 : i32
      %dma_start3A_173 = arith.constant 0 : i32
      %dma_start3A_174 = tpu.memref_slice %arg10[%dma_start3A_172, %dma_start3A_173] : memref<1280x32xf32, #tpu.memory_space<vmem>> -> memref<128x32xf32, #tpu.memory_space<vmem>>
      %dma_start3A_175 = arith.constant 0 : i32
      %dma_start3A_176 = tpu.memref_slice %arg8[%dma_start3A_171, %dma_start3A_175] : memref<5x128xi32, #tpu.memory_space<vmem>> -> memref<1x128xi32, #tpu.memory_space<vmem>>
      %dma_start3A_177 = tpu.memref_squeeze %dma_start3A_176 : memref<1x128xi32, #tpu.memory_space<vmem>> -> memref<128xi32, #tpu.memory_space<vmem>>
      %dma_start3A_178 = arith.constant 0 : i32
      %dma_start3A_179 = arith.constant 0 : i32
      %dma_start3A_180 = tpu.memref_slice %arg4[%dma_start3A_178, %dma_start3A_179] : memref<1000000x32xf32, #tpu.memory_space<hbm>> -> memref<1000000x32xf32, #tpu.memory_space<hbm>>
      tpu.enqueue_indirect_dma source(%dma_start3A_180 : memref<1000000x32xf32, #tpu.memory_space<hbm>>) target(%dma_start3A_174 : memref<128x32xf32, #tpu.memory_space<vmem>>) offsets(%dma_start3A_177 : memref<128xi32, #tpu.memory_space<vmem>>) semaphore(%arg14 : memref<!tpu.dma_semaphore, #tpu.memory_space<semaphore_mem>>)
      %dma_start3A_181 = arith.constant 2 : i32
      %dma_start3A_182 = arith.constant 256 : i32
      %dma_start3A_183 = arith.constant 0 : i32
      %dma_start3A_184 = tpu.memref_slice %arg10[%dma_start3A_182, %dma_start3A_183] : memref<1280x32xf32, #tpu.memory_space<vmem>> -> memref<128x32xf32, #tpu.memory_space<vmem>>
      %dma_start3A_185 = arith.constant 0 : i32
      %dma_start3A_186 = tpu.memref_slice %arg8[%dma_start3A_181, %dma_start3A_185] : memref<5x128xi32, #tpu.memory_space<vmem>> -> memref<1x128xi32, #tpu.memory_space<vmem>>
      %dma_start3A_187 = tpu.memref_squeeze %dma_start3A_186 : memref<1x128xi32, #tpu.memory_space<vmem>> -> memref<128xi32, #tpu.memory_space<vmem>>
      %dma_start3A_188 = arith.constant 0 : i32
      %dma_start3A_189 = arith.constant 0 : i32
      %dma_start3A_190 = tpu.memref_slice %arg3[%dma_start3A_188, %dma_start3A_189] : memref<1000000x32xf32, #tpu.memory_space<hbm>> -> memref<1000000x32xf32, #tpu.memory_space<hbm>>
      tpu.enqueue_indirect_dma source(%dma_start3A_190 : memref<1000000x32xf32, #tpu.memory_space<hbm>>) target(%dma_start3A_184 : memref<128x32xf32, #tpu.memory_space<vmem>>) offsets(%dma_start3A_187 : memref<128xi32, #tpu.memory_space<vmem>>) semaphore(%arg13 : memref<!tpu.dma_semaphore, #tpu.memory_space<semaphore_mem>>)
      %dma_start3A_191 = arith.constant 2 : i32
      %dma_start3A_192 = arith.constant 896 : i32
      %dma_start3A_193 = arith.constant 0 : i32
      %dma_start3A_194 = tpu.memref_slice %arg10[%dma_start3A_192, %dma_start3A_193] : memref<1280x32xf32, #tpu.memory_space<vmem>> -> memref<128x32xf32, #tpu.memory_space<vmem>>
      %dma_start3A_195 = arith.constant 0 : i32
      %dma_start3A_196 = tpu.memref_slice %arg8[%dma_start3A_191, %dma_start3A_195] : memref<5x128xi32, #tpu.memory_space<vmem>> -> memref<1x128xi32, #tpu.memory_space<vmem>>
      %dma_start3A_197 = tpu.memref_squeeze %dma_start3A_196 : memref<1x128xi32, #tpu.memory_space<vmem>> -> memref<128xi32, #tpu.memory_space<vmem>>
      %dma_start3A_198 = arith.constant 0 : i32
      %dma_start3A_199 = arith.constant 0 : i32
      %dma_start3A_200 = tpu.memref_slice %arg4[%dma_start3A_198, %dma_start3A_199] : memref<1000000x32xf32, #tpu.memory_space<hbm>> -> memref<1000000x32xf32, #tpu.memory_space<hbm>>
      tpu.enqueue_indirect_dma source(%dma_start3A_200 : memref<1000000x32xf32, #tpu.memory_space<hbm>>) target(%dma_start3A_194 : memref<128x32xf32, #tpu.memory_space<vmem>>) offsets(%dma_start3A_197 : memref<128xi32, #tpu.memory_space<vmem>>) semaphore(%arg14 : memref<!tpu.dma_semaphore, #tpu.memory_space<semaphore_mem>>)
      %dma_start3A_201 = arith.constant 3 : i32
      %dma_start3A_202 = arith.constant 384 : i32
      %dma_start3A_203 = arith.constant 0 : i32
      %dma_start3A_204 = tpu.memref_slice %arg10[%dma_start3A_202, %dma_start3A_203] : memref<1280x32xf32, #tpu.memory_space<vmem>> -> memref<128x32xf32, #tpu.memory_space<vmem>>
      %dma_start3A_205 = arith.constant 0 : i32
      %dma_start3A_206 = tpu.memref_slice %arg8[%dma_start3A_201, %dma_start3A_205] : memref<5x128xi32, #tpu.memory_space<vmem>> -> memref<1x128xi32, #tpu.memory_space<vmem>>
      %dma_start3A_207 = tpu.memref_squeeze %dma_start3A_206 : memref<1x128xi32, #tpu.memory_space<vmem>> -> memref<128xi32, #tpu.memory_space<vmem>>
      %dma_start3A_208 = arith.constant 0 : i32
      %dma_start3A_209 = arith.constant 0 : i32
      %dma_start3A_210 = tpu.memref_slice %arg3[%dma_start3A_208, %dma_start3A_209] : memref<1000000x32xf32, #tpu.memory_space<hbm>> -> memref<1000000x32xf32, #tpu.memory_space<hbm>>
      tpu.enqueue_indirect_dma source(%dma_start3A_210 : memref<1000000x32xf32, #tpu.memory_space<hbm>>) target(%dma_start3A_204 : memref<128x32xf32, #tpu.memory_space<vmem>>) offsets(%dma_start3A_207 : memref<128xi32, #tpu.memory_space<vmem>>) semaphore(%arg13 : memref<!tpu.dma_semaphore, #tpu.memory_space<semaphore_mem>>)
      %dma_start3A_211 = arith.constant 3 : i32
      %dma_start3A_212 = arith.constant 1024 : i32
      %dma_start3A_213 = arith.constant 0 : i32
      %dma_start3A_214 = tpu.memref_slice %arg10[%dma_start3A_212, %dma_start3A_213] : memref<1280x32xf32, #tpu.memory_space<vmem>> -> memref<128x32xf32, #tpu.memory_space<vmem>>
      %dma_start3A_215 = arith.constant 0 : i32
      %dma_start3A_216 = tpu.memref_slice %arg8[%dma_start3A_211, %dma_start3A_215] : memref<5x128xi32, #tpu.memory_space<vmem>> -> memref<1x128xi32, #tpu.memory_space<vmem>>
      %dma_start3A_217 = tpu.memref_squeeze %dma_start3A_216 : memref<1x128xi32, #tpu.memory_space<vmem>> -> memref<128xi32, #tpu.memory_space<vmem>>
      %dma_start3A_218 = arith.constant 0 : i32
      %dma_start3A_219 = arith.constant 0 : i32
      %dma_start3A_220 = tpu.memref_slice %arg4[%dma_start3A_218, %dma_start3A_219] : memref<1000000x32xf32, #tpu.memory_space<hbm>> -> memref<1000000x32xf32, #tpu.memory_space<hbm>>
      tpu.enqueue_indirect_dma source(%dma_start3A_220 : memref<1000000x32xf32, #tpu.memory_space<hbm>>) target(%dma_start3A_214 : memref<128x32xf32, #tpu.memory_space<vmem>>) offsets(%dma_start3A_217 : memref<128xi32, #tpu.memory_space<vmem>>) semaphore(%arg14 : memref<!tpu.dma_semaphore, #tpu.memory_space<semaphore_mem>>)
      %dma_start3A_221 = arith.constant 4 : i32
      %dma_start3A_222 = arith.constant 512 : i32
      %dma_start3A_223 = arith.constant 0 : i32
      %dma_start3A_224 = tpu.memref_slice %arg10[%dma_start3A_222, %dma_start3A_223] : memref<1280x32xf32, #tpu.memory_space<vmem>> -> memref<128x32xf32, #tpu.memory_space<vmem>>
      %dma_start3A_225 = arith.constant 0 : i32
      %dma_start3A_226 = tpu.memref_slice %arg8[%dma_start3A_221, %dma_start3A_225] : memref<5x128xi32, #tpu.memory_space<vmem>> -> memref<1x128xi32, #tpu.memory_space<vmem>>
      %dma_start3A_227 = tpu.memref_squeeze %dma_start3A_226 : memref<1x128xi32, #tpu.memory_space<vmem>> -> memref<128xi32, #tpu.memory_space<vmem>>
      %dma_start3A_228 = arith.constant 0 : i32
      %dma_start3A_229 = arith.constant 0 : i32
      %dma_start3A_230 = tpu.memref_slice %arg3[%dma_start3A_228, %dma_start3A_229] : memref<1000000x32xf32, #tpu.memory_space<hbm>> -> memref<1000000x32xf32, #tpu.memory_space<hbm>>
      tpu.enqueue_indirect_dma source(%dma_start3A_230 : memref<1000000x32xf32, #tpu.memory_space<hbm>>) target(%dma_start3A_224 : memref<128x32xf32, #tpu.memory_space<vmem>>) offsets(%dma_start3A_227 : memref<128xi32, #tpu.memory_space<vmem>>) semaphore(%arg13 : memref<!tpu.dma_semaphore, #tpu.memory_space<semaphore_mem>>)
      %dma_start3A_231 = arith.constant 4 : i32
      %dma_start3A_232 = arith.constant 1152 : i32
      %dma_start3A_233 = arith.constant 0 : i32
      %dma_start3A_234 = tpu.memref_slice %arg10[%dma_start3A_232, %dma_start3A_233] : memref<1280x32xf32, #tpu.memory_space<vmem>> -> memref<128x32xf32, #tpu.memory_space<vmem>>
      %dma_start3A_235 = arith.constant 0 : i32
      %dma_start3A_236 = tpu.memref_slice %arg8[%dma_start3A_231, %dma_start3A_235] : memref<5x128xi32, #tpu.memory_space<vmem>> -> memref<1x128xi32, #tpu.memory_space<vmem>>
      %dma_start3A_237 = tpu.memref_squeeze %dma_start3A_236 : memref<1x128xi32, #tpu.memory_space<vmem>> -> memref<128xi32, #tpu.memory_space<vmem>>
      %dma_start3A_238 = arith.constant 0 : i32
      %dma_start3A_239 = arith.constant 0 : i32
      %dma_start3A_240 = tpu.memref_slice %arg4[%dma_start3A_238, %dma_start3A_239] : memref<1000000x32xf32, #tpu.memory_space<hbm>> -> memref<1000000x32xf32, #tpu.memory_space<hbm>>
      tpu.enqueue_indirect_dma source(%dma_start3A_240 : memref<1000000x32xf32, #tpu.memory_space<hbm>>) target(%dma_start3A_234 : memref<128x32xf32, #tpu.memory_space<vmem>>) offsets(%dma_start3A_237 : memref<128xi32, #tpu.memory_space<vmem>>) semaphore(%arg14 : memref<!tpu.dma_semaphore, #tpu.memory_space<semaphore_mem>>)
      %mul3A_241 = arith.constant 5 : i32
      %mul3A_242 = arith.muli %mul3A_136, %mul3A_241 : i32
      %gt3A = arith.constant 0 : i32
      %gt3A_243 = arith.cmpi sgt, %mul3A_136, %gt3A : i32
      %convert_element_type3A = arith.extui %gt3A_243 : i1 to i32
      %cond3A = arith.constant 0 : i32
      %cond3A_244 = arith.cmpi ne, %convert_element_type3A, %cond3A : i32
      scf.if %cond3A_244 {
        %sub3A = arith.constant 5 : i32
        %sub3A_532 = arith.subi %mul3A_242, %sub3A : i32
        %dma_wait3A_533 = arith.constant 0 : i32
        %dma_wait3A_534 = arith.constant 0 : i32
        %dma_wait3A_535 = arith.constant 0 : i32
        %dma_wait3A_536 = tpu.memref_slice %arg11[%dma_wait3A_533, %dma_wait3A_534, %dma_wait3A_535] : memref<5x32x129xf32, #tpu.memory_space<vmem>> -> memref<5x32x128xf32, #tpu.memory_space<vmem>>
        %dma_wait3A_537 = arith.constant 0 : i32
        %dma_wait3A_538 = tpu.memref_slice %arg5[%sub3A_532, %dma_wait3A_537, %mul3A_2] : memref<200x32x4096xf32, #tpu.memory_space<hbm>> -> memref<5x32x128xf32, #tpu.memory_space<hbm>>
        %dma_wait3A_539 = arith.constant 0 : i32
        %dma_wait3A_540 = tpu.memref_slice %arg5[%sub3A_532, %dma_wait3A_539, %mul3A_2] : memref<200x32x4096xf32, #tpu.memory_space<hbm>> -> memref<5x32x128xf32, #tpu.memory_space<hbm>>
        %dma_wait3A_541 = arith.constant 0 : i32
        %dma_wait3A_542 = arith.constant 0 : i32
        %dma_wait3A_543 = arith.constant 0 : i32
        %dma_wait3A_544 = tpu.memref_slice %arg11[%dma_wait3A_541, %dma_wait3A_542, %dma_wait3A_543] : memref<5x32x129xf32, #tpu.memory_space<vmem>> -> memref<5x32x128xf32, #tpu.memory_space<vmem>>
        tpu.wait_dma2 semaphore(%arg15 : memref<!tpu.dma_semaphore, #tpu.memory_space<semaphore_mem>>) src(%dma_wait3A_544 : memref<5x32x128xf32, #tpu.memory_space<vmem>>) dst(%dma_wait3A_540 : memref<5x32x128xf32, #tpu.memory_space<hbm>>)
        %sub3A_545 = arith.constant 5 : i32
        %sub3A_546 = arith.subi %mul3A_242, %sub3A_545 : i32
        %dma_wait3A_547 = arith.constant 0 : i32
        %dma_wait3A_548 = arith.constant 0 : i32
        %dma_wait3A_549 = arith.constant 0 : i32
        %dma_wait3A_550 = tpu.memref_slice %arg12[%dma_wait3A_547, %dma_wait3A_548, %dma_wait3A_549] : memref<5x32x129xf32, #tpu.memory_space<vmem>> -> memref<5x32x128xf32, #tpu.memory_space<vmem>>
        %dma_wait3A_551 = arith.constant 0 : i32
        %dma_wait3A_552 = tpu.memref_slice %arg6[%sub3A_546, %dma_wait3A_551, %mul3A_2] : memref<200x32x4096xf32, #tpu.memory_space<hbm>> -> memref<5x32x128xf32, #tpu.memory_space<hbm>>
        %dma_wait3A_553 = arith.constant 0 : i32
        %dma_wait3A_554 = tpu.memref_slice %arg6[%sub3A_546, %dma_wait3A_553, %mul3A_2] : memref<200x32x4096xf32, #tpu.memory_space<hbm>> -> memref<5x32x128xf32, #tpu.memory_space<hbm>>
        %dma_wait3A_555 = arith.constant 0 : i32
        %dma_wait3A_556 = arith.constant 0 : i32
        %dma_wait3A_557 = arith.constant 0 : i32
        %dma_wait3A_558 = tpu.memref_slice %arg12[%dma_wait3A_555, %dma_wait3A_556, %dma_wait3A_557] : memref<5x32x129xf32, #tpu.memory_space<vmem>> -> memref<5x32x128xf32, #tpu.memory_space<vmem>>
        tpu.wait_dma2 semaphore(%arg16 : memref<!tpu.dma_semaphore, #tpu.memory_space<semaphore_mem>>) src(%dma_wait3A_558 : memref<5x32x128xf32, #tpu.memory_space<vmem>>) dst(%dma_wait3A_554 : memref<5x32x128xf32, #tpu.memory_space<hbm>>)
      } else {
      }
      %dma_wait3A_245 = arith.constant 0 : i32
      %dma_wait3A_246 = arith.constant 0 : i32
      %dma_wait3A_247 = arith.constant 0 : i32
      %dma_wait3A_248 = tpu.memref_slice %arg9[%dma_wait3A_246, %dma_wait3A_247] : memref<1280x32xf32, #tpu.memory_space<vmem>> -> memref<128x32xf32, #tpu.memory_space<vmem>>
      %dma_wait3A_249 = arith.constant 0 : i32
      %dma_wait3A_250 = tpu.memref_slice %arg7[%dma_wait3A_245, %dma_wait3A_249] : memref<5x128xi32, #tpu.memory_space<vmem>> -> memref<1x128xi32, #tpu.memory_space<vmem>>
      %dma_wait3A_251 = tpu.memref_squeeze %dma_wait3A_250 : memref<1x128xi32, #tpu.memory_space<vmem>> -> memref<128xi32, #tpu.memory_space<vmem>>
      %dma_wait3A_252 = arith.constant 0 : i32
      %dma_wait3A_253 = arith.constant 0 : i32
      %dma_wait3A_254 = tpu.memref_slice %arg3[%dma_wait3A_252, %dma_wait3A_253] : memref<1000000x32xf32, #tpu.memory_space<hbm>> -> memref<1000000x32xf32, #tpu.memory_space<hbm>>
      tpu.wait_indirect_dma semaphore(%arg13 : memref<!tpu.dma_semaphore, #tpu.memory_space<semaphore_mem>>) src(%dma_wait3A_254 : memref<1000000x32xf32, #tpu.memory_space<hbm>>) dst(%dma_wait3A_248 : memref<128x32xf32, #tpu.memory_space<vmem>>)
      %dma_wait3A_255 = arith.constant 1 : i32
      %dma_wait3A_256 = arith.constant 128 : i32
      %dma_wait3A_257 = arith.constant 0 : i32
      %dma_wait3A_258 = tpu.memref_slice %arg9[%dma_wait3A_256, %dma_wait3A_257] : memref<1280x32xf32, #tpu.memory_space<vmem>> -> memref<128x32xf32, #tpu.memory_space<vmem>>
      %dma_wait3A_259 = arith.constant 0 : i32
      %dma_wait3A_260 = tpu.memref_slice %arg7[%dma_wait3A_255, %dma_wait3A_259] : memref<5x128xi32, #tpu.memory_space<vmem>> -> memref<1x128xi32, #tpu.memory_space<vmem>>
      %dma_wait3A_261 = tpu.memref_squeeze %dma_wait3A_260 : memref<1x128xi32, #tpu.memory_space<vmem>> -> memref<128xi32, #tpu.memory_space<vmem>>
      %dma_wait3A_262 = arith.constant 0 : i32
      %dma_wait3A_263 = arith.constant 0 : i32
      %dma_wait3A_264 = tpu.memref_slice %arg3[%dma_wait3A_262, %dma_wait3A_263] : memref<1000000x32xf32, #tpu.memory_space<hbm>> -> memref<1000000x32xf32, #tpu.memory_space<hbm>>
      tpu.wait_indirect_dma semaphore(%arg13 : memref<!tpu.dma_semaphore, #tpu.memory_space<semaphore_mem>>) src(%dma_wait3A_264 : memref<1000000x32xf32, #tpu.memory_space<hbm>>) dst(%dma_wait3A_258 : memref<128x32xf32, #tpu.memory_space<vmem>>)
      %dma_wait3A_265 = arith.constant 2 : i32
      %dma_wait3A_266 = arith.constant 256 : i32
      %dma_wait3A_267 = arith.constant 0 : i32
      %dma_wait3A_268 = tpu.memref_slice %arg9[%dma_wait3A_266, %dma_wait3A_267] : memref<1280x32xf32, #tpu.memory_space<vmem>> -> memref<128x32xf32, #tpu.memory_space<vmem>>
      %dma_wait3A_269 = arith.constant 0 : i32
      %dma_wait3A_270 = tpu.memref_slice %arg7[%dma_wait3A_265, %dma_wait3A_269] : memref<5x128xi32, #tpu.memory_space<vmem>> -> memref<1x128xi32, #tpu.memory_space<vmem>>
      %dma_wait3A_271 = tpu.memref_squeeze %dma_wait3A_270 : memref<1x128xi32, #tpu.memory_space<vmem>> -> memref<128xi32, #tpu.memory_space<vmem>>
      %dma_wait3A_272 = arith.constant 0 : i32
      %dma_wait3A_273 = arith.constant 0 : i32
      %dma_wait3A_274 = tpu.memref_slice %arg3[%dma_wait3A_272, %dma_wait3A_273] : memref<1000000x32xf32, #tpu.memory_space<hbm>> -> memref<1000000x32xf32, #tpu.memory_space<hbm>>
      tpu.wait_indirect_dma semaphore(%arg13 : memref<!tpu.dma_semaphore, #tpu.memory_space<semaphore_mem>>) src(%dma_wait3A_274 : memref<1000000x32xf32, #tpu.memory_space<hbm>>) dst(%dma_wait3A_268 : memref<128x32xf32, #tpu.memory_space<vmem>>)
      %dma_wait3A_275 = arith.constant 3 : i32
      %dma_wait3A_276 = arith.constant 384 : i32
      %dma_wait3A_277 = arith.constant 0 : i32
      %dma_wait3A_278 = tpu.memref_slice %arg9[%dma_wait3A_276, %dma_wait3A_277] : memref<1280x32xf32, #tpu.memory_space<vmem>> -> memref<128x32xf32, #tpu.memory_space<vmem>>
      %dma_wait3A_279 = arith.constant 0 : i32
      %dma_wait3A_280 = tpu.memref_slice %arg7[%dma_wait3A_275, %dma_wait3A_279] : memref<5x128xi32, #tpu.memory_space<vmem>> -> memref<1x128xi32, #tpu.memory_space<vmem>>
      %dma_wait3A_281 = tpu.memref_squeeze %dma_wait3A_280 : memref<1x128xi32, #tpu.memory_space<vmem>> -> memref<128xi32, #tpu.memory_space<vmem>>
      %dma_wait3A_282 = arith.constant 0 : i32
      %dma_wait3A_283 = arith.constant 0 : i32
      %dma_wait3A_284 = tpu.memref_slice %arg3[%dma_wait3A_282, %dma_wait3A_283] : memref<1000000x32xf32, #tpu.memory_space<hbm>> -> memref<1000000x32xf32, #tpu.memory_space<hbm>>
      tpu.wait_indirect_dma semaphore(%arg13 : memref<!tpu.dma_semaphore, #tpu.memory_space<semaphore_mem>>) src(%dma_wait3A_284 : memref<1000000x32xf32, #tpu.memory_space<hbm>>) dst(%dma_wait3A_278 : memref<128x32xf32, #tpu.memory_space<vmem>>)
      %dma_wait3A_285 = arith.constant 4 : i32
      %dma_wait3A_286 = arith.constant 512 : i32
      %dma_wait3A_287 = arith.constant 0 : i32
      %dma_wait3A_288 = tpu.memref_slice %arg9[%dma_wait3A_286, %dma_wait3A_287] : memref<1280x32xf32, #tpu.memory_space<vmem>> -> memref<128x32xf32, #tpu.memory_space<vmem>>
      %dma_wait3A_289 = arith.constant 0 : i32
      %dma_wait3A_290 = tpu.memref_slice %arg7[%dma_wait3A_285, %dma_wait3A_289] : memref<5x128xi32, #tpu.memory_space<vmem>> -> memref<1x128xi32, #tpu.memory_space<vmem>>
      %dma_wait3A_291 = tpu.memref_squeeze %dma_wait3A_290 : memref<1x128xi32, #tpu.memory_space<vmem>> -> memref<128xi32, #tpu.memory_space<vmem>>
      %dma_wait3A_292 = arith.constant 0 : i32
      %dma_wait3A_293 = arith.constant 0 : i32
      %dma_wait3A_294 = tpu.memref_slice %arg3[%dma_wait3A_292, %dma_wait3A_293] : memref<1000000x32xf32, #tpu.memory_space<hbm>> -> memref<1000000x32xf32, #tpu.memory_space<hbm>>
      tpu.wait_indirect_dma semaphore(%arg13 : memref<!tpu.dma_semaphore, #tpu.memory_space<semaphore_mem>>) src(%dma_wait3A_294 : memref<1000000x32xf32, #tpu.memory_space<hbm>>) dst(%dma_wait3A_288 : memref<128x32xf32, #tpu.memory_space<vmem>>)
      %scan3A_295 = arith.constant 0 : i32
      %scan3A_296 = arith.constant 0 : i32
      %scan3A_297 = arith.constant 128 : i32
      %scan3A_298 = arith.addi %scan3A_296, %scan3A_297 : i32
      %scan3A_299 = arith.constant 1 : i32
      scf.for %scan3A_532 = %scan3A_296 to %scan3A_298 step %scan3A_299  : i32 {
        %mul3A_533 = arith.constant 0 : i32
        %mul3A_534 = vector.broadcast %mul3A_533 : i32 to vector<16xi32>
        %mul3A_535 = arith.muli %iota3A, %mul3A_534 : vector<16xi32>
        %add3A_536 = vector.broadcast %scan3A_532 : i32 to vector<16xi32>
        %add3A_537 = arith.addi %mul3A_535, %add3A_536 : vector<16xi32>
        %broadcast_in_dim3A = arith.constant 0 : i32
        %broadcast_in_dim3A_538 = vector.broadcast %broadcast_in_dim3A : i32 to vector<16xi32>
        %add3A_539 = arith.constant 0 : i32
        %add3A_540 = arith.addi %add3A_539, %scan3A_532 : i32
        %get3A = arith.index_cast %add3A_540 : i32 to index
        %get3A_541 = arith.constant 0 : index
        %get3A_542 = tpu.vector_load %arg9[%get3A, %get3A_541] {strides = array<i32>} : memref<1280x32xf32, #tpu.memory_space<vmem>>, vector<16xf32>,
        %add3A_543 = arith.constant 0 : i32
        %add3A_544 = vector.broadcast %add3A_543 : i32 to vector<16xi32>
        %add3A_545 = arith.addi %add3A_544, %iota3A : vector<16xi32>
        tpu.vector_store_idx %arg11[%broadcast_in_dim3A_538, %add3A_545, %add3A_537], %get3A_542 : memref<5x32x129xf32, #tpu.memory_space<vmem>>[vector<16xi32>, vector<16xi32>, vector<16xi32>], vector<16xf32>,
        %add3A_546 = arith.constant 0 : i32
        %add3A_547 = arith.addi %add3A_546, %scan3A_532 : i32
        %get3A_548 = arith.index_cast %add3A_547 : i32 to index
        %get3A_549 = arith.constant 16 : index
        %get3A_550 = tpu.vector_load %arg9[%get3A_548, %get3A_549] {strides = array<i32>} : memref<1280x32xf32, #tpu.memory_space<vmem>>, vector<16xf32>,
        %add3A_551 = arith.constant 16 : i32
        %add3A_552 = vector.broadcast %add3A_551 : i32 to vector<16xi32>
        %add3A_553 = arith.addi %add3A_552, %iota3A : vector<16xi32>
        tpu.vector_store_idx %arg11[%broadcast_in_dim3A_538, %add3A_553, %add3A_537], %get3A_550 : memref<5x32x129xf32, #tpu.memory_space<vmem>>[vector<16xi32>, vector<16xi32>, vector<16xi32>], vector<16xf32>,
        %broadcast_in_dim3A_554 = arith.constant 1 : i32
        %broadcast_in_dim3A_555 = vector.broadcast %broadcast_in_dim3A_554 : i32 to vector<16xi32>
        %add3A_556 = arith.constant 128 : i32
        %add3A_557 = arith.addi %add3A_556, %scan3A_532 : i32
        %get3A_558 = arith.index_cast %add3A_557 : i32 to index
        %get3A_559 = arith.constant 0 : index
        %get3A_560 = tpu.vector_load %arg9[%get3A_558, %get3A_559] {strides = array<i32>} : memref<1280x32xf32, #tpu.memory_space<vmem>>, vector<16xf32>,
        %add3A_561 = arith.constant 0 : i32
        %add3A_562 = vector.broadcast %add3A_561 : i32 to vector<16xi32>
        %add3A_563 = arith.addi %add3A_562, %iota3A : vector<16xi32>
        tpu.vector_store_idx %arg11[%broadcast_in_dim3A_555, %add3A_563, %add3A_537], %get3A_560 : memref<5x32x129xf32, #tpu.memory_space<vmem>>[vector<16xi32>, vector<16xi32>, vector<16xi32>], vector<16xf32>,
        %add3A_564 = arith.constant 128 : i32
        %add3A_565 = arith.addi %add3A_564, %scan3A_532 : i32
        %get3A_566 = arith.index_cast %add3A_565 : i32 to index
        %get3A_567 = arith.constant 16 : index
        %get3A_568 = tpu.vector_load %arg9[%get3A_566, %get3A_567] {strides = array<i32>} : memref<1280x32xf32, #tpu.memory_space<vmem>>, vector<16xf32>,
        %add3A_569 = arith.constant 16 : i32
        %add3A_570 = vector.broadcast %add3A_569 : i32 to vector<16xi32>
        %add3A_571 = arith.addi %add3A_570, %iota3A : vector<16xi32>
        tpu.vector_store_idx %arg11[%broadcast_in_dim3A_555, %add3A_571, %add3A_537], %get3A_568 : memref<5x32x129xf32, #tpu.memory_space<vmem>>[vector<16xi32>, vector<16xi32>, vector<16xi32>], vector<16xf32>,
        %broadcast_in_dim3A_572 = arith.constant 2 : i32
        %broadcast_in_dim3A_573 = vector.broadcast %broadcast_in_dim3A_572 : i32 to vector<16xi32>
        %add3A_574 = arith.constant 256 : i32
        %add3A_575 = arith.addi %add3A_574, %scan3A_532 : i32
        %get3A_576 = arith.index_cast %add3A_575 : i32 to index
        %get3A_577 = arith.constant 0 : index
        %get3A_578 = tpu.vector_load %arg9[%get3A_576, %get3A_577] {strides = array<i32>} : memref<1280x32xf32, #tpu.memory_space<vmem>>, vector<16xf32>,
        %add3A_579 = arith.constant 0 : i32
        %add3A_580 = vector.broadcast %add3A_579 : i32 to vector<16xi32>
        %add3A_581 = arith.addi %add3A_580, %iota3A : vector<16xi32>
        tpu.vector_store_idx %arg11[%broadcast_in_dim3A_573, %add3A_581, %add3A_537], %get3A_578 : memref<5x32x129xf32, #tpu.memory_space<vmem>>[vector<16xi32>, vector<16xi32>, vector<16xi32>], vector<16xf32>,
        %add3A_582 = arith.constant 256 : i32
        %add3A_583 = arith.addi %add3A_582, %scan3A_532 : i32
        %get3A_584 = arith.index_cast %add3A_583 : i32 to index
        %get3A_585 = arith.constant 16 : index
        %get3A_586 = tpu.vector_load %arg9[%get3A_584, %get3A_585] {strides = array<i32>} : memref<1280x32xf32, #tpu.memory_space<vmem>>, vector<16xf32>,
        %add3A_587 = arith.constant 16 : i32
        %add3A_588 = vector.broadcast %add3A_587 : i32 to vector<16xi32>
        %add3A_589 = arith.addi %add3A_588, %iota3A : vector<16xi32>
        tpu.vector_store_idx %arg11[%broadcast_in_dim3A_573, %add3A_589, %add3A_537], %get3A_586 : memref<5x32x129xf32, #tpu.memory_space<vmem>>[vector<16xi32>, vector<16xi32>, vector<16xi32>], vector<16xf32>,
        %broadcast_in_dim3A_590 = arith.constant 3 : i32
        %broadcast_in_dim3A_591 = vector.broadcast %broadcast_in_dim3A_590 : i32 to vector<16xi32>
        %add3A_592 = arith.constant 384 : i32
        %add3A_593 = arith.addi %add3A_592, %scan3A_532 : i32
        %get3A_594 = arith.index_cast %add3A_593 : i32 to index
        %get3A_595 = arith.constant 0 : index
        %get3A_596 = tpu.vector_load %arg9[%get3A_594, %get3A_595] {strides = array<i32>} : memref<1280x32xf32, #tpu.memory_space<vmem>>, vector<16xf32>,
        %add3A_597 = arith.constant 0 : i32
        %add3A_598 = vector.broadcast %add3A_597 : i32 to vector<16xi32>
        %add3A_599 = arith.addi %add3A_598, %iota3A : vector<16xi32>
        tpu.vector_store_idx %arg11[%broadcast_in_dim3A_591, %add3A_599, %add3A_537], %get3A_596 : memref<5x32x129xf32, #tpu.memory_space<vmem>>[vector<16xi32>, vector<16xi32>, vector<16xi32>], vector<16xf32>,
        %add3A_600 = arith.constant 384 : i32
        %add3A_601 = arith.addi %add3A_600, %scan3A_532 : i32
        %get3A_602 = arith.index_cast %add3A_601 : i32 to index
        %get3A_603 = arith.constant 16 : index
        %get3A_604 = tpu.vector_load %arg9[%get3A_602, %get3A_603] {strides = array<i32>} : memref<1280x32xf32, #tpu.memory_space<vmem>>, vector<16xf32>,
        %add3A_605 = arith.constant 16 : i32
        %add3A_606 = vector.broadcast %add3A_605 : i32 to vector<16xi32>
        %add3A_607 = arith.addi %add3A_606, %iota3A : vector<16xi32>
        tpu.vector_store_idx %arg11[%broadcast_in_dim3A_591, %add3A_607, %add3A_537], %get3A_604 : memref<5x32x129xf32, #tpu.memory_space<vmem>>[vector<16xi32>, vector<16xi32>, vector<16xi32>], vector<16xf32>,
        %broadcast_in_dim3A_608 = arith.constant 4 : i32
        %broadcast_in_dim3A_609 = vector.broadcast %broadcast_in_dim3A_608 : i32 to vector<16xi32>
        %add3A_610 = arith.constant 512 : i32
        %add3A_611 = arith.addi %add3A_610, %scan3A_532 : i32
        %get3A_612 = arith.index_cast %add3A_611 : i32 to index
        %get3A_613 = arith.constant 0 : index
        %get3A_614 = tpu.vector_load %arg9[%get3A_612, %get3A_613] {strides = array<i32>} : memref<1280x32xf32, #tpu.memory_space<vmem>>, vector<16xf32>,
        %add3A_615 = arith.constant 0 : i32
        %add3A_616 = vector.broadcast %add3A_615 : i32 to vector<16xi32>
        %add3A_617 = arith.addi %add3A_616, %iota3A : vector<16xi32>
        tpu.vector_store_idx %arg11[%broadcast_in_dim3A_609, %add3A_617, %add3A_537], %get3A_614 : memref<5x32x129xf32, #tpu.memory_space<vmem>>[vector<16xi32>, vector<16xi32>, vector<16xi32>], vector<16xf32>,
        %add3A_618 = arith.constant 512 : i32
        %add3A_619 = arith.addi %add3A_618, %scan3A_532 : i32
        %get3A_620 = arith.index_cast %add3A_619 : i32 to index
        %get3A_621 = arith.constant 16 : index
        %get3A_622 = tpu.vector_load %arg9[%get3A_620, %get3A_621] {strides = array<i32>} : memref<1280x32xf32, #tpu.memory_space<vmem>>, vector<16xf32>,
        %add3A_623 = arith.constant 16 : i32
        %add3A_624 = vector.broadcast %add3A_623 : i32 to vector<16xi32>
        %add3A_625 = arith.addi %add3A_624, %iota3A : vector<16xi32>
        tpu.vector_store_idx %arg11[%broadcast_in_dim3A_609, %add3A_625, %add3A_537], %get3A_622 : memref<5x32x129xf32, #tpu.memory_space<vmem>>[vector<16xi32>, vector<16xi32>, vector<16xi32>], vector<16xf32>,
      }
      %scan3A_300 = arith.constant 128 : i32
      %dma_start3A_301 = arith.constant 0 : i32
      %dma_start3A_302 = arith.constant 0 : i32
      %dma_start3A_303 = arith.constant 0 : i32
      %dma_start3A_304 = tpu.memref_slice %arg11[%dma_start3A_301, %dma_start3A_302, %dma_start3A_303] : memref<5x32x129xf32, #tpu.memory_space<vmem>> -> memref<5x32x128xf32, #tpu.memory_space<vmem>>
      %dma_start3A_305 = arith.constant 0 : i32
      %dma_start3A_306 = tpu.memref_slice %arg5[%mul3A_242, %dma_start3A_305, %mul3A_2] : memref<200x32x4096xf32, #tpu.memory_space<hbm>> -> memref<5x32x128xf32, #tpu.memory_space<hbm>>
      %dma_start3A_307 = arith.constant 0 : i32
      %dma_start3A_308 = tpu.memref_slice %arg5[%mul3A_242, %dma_start3A_307, %mul3A_2] : memref<200x32x4096xf32, #tpu.memory_space<hbm>> -> memref<5x32x128xf32, #tpu.memory_space<hbm>>
      %dma_start3A_309 = arith.constant 0 : i32
      %dma_start3A_310 = arith.constant 0 : i32
      %dma_start3A_311 = arith.constant 0 : i32
      %dma_start3A_312 = tpu.memref_slice %arg11[%dma_start3A_309, %dma_start3A_310, %dma_start3A_311] : memref<5x32x129xf32, #tpu.memory_space<vmem>> -> memref<5x32x128xf32, #tpu.memory_space<vmem>>
      tpu.enqueue_dma source(%dma_start3A_312 : memref<5x32x128xf32, #tpu.memory_space<vmem>>) target(%dma_start3A_308 : memref<5x32x128xf32, #tpu.memory_space<hbm>>) target_semaphore(%arg15 : memref<!tpu.dma_semaphore, #tpu.memory_space<semaphore_mem>>)
      %dma_wait3A_313 = arith.constant 0 : i32
      %dma_wait3A_314 = arith.constant 640 : i32
      %dma_wait3A_315 = arith.constant 0 : i32
      %dma_wait3A_316 = tpu.memref_slice %arg9[%dma_wait3A_314, %dma_wait3A_315] : memref<1280x32xf32, #tpu.memory_space<vmem>> -> memref<128x32xf32, #tpu.memory_space<vmem>>
      %dma_wait3A_317 = arith.constant 0 : i32
      %dma_wait3A_318 = tpu.memref_slice %arg7[%dma_wait3A_313, %dma_wait3A_317] : memref<5x128xi32, #tpu.memory_space<vmem>> -> memref<1x128xi32, #tpu.memory_space<vmem>>
      %dma_wait3A_319 = tpu.memref_squeeze %dma_wait3A_318 : memref<1x128xi32, #tpu.memory_space<vmem>> -> memref<128xi32, #tpu.memory_space<vmem>>
      %dma_wait3A_320 = arith.constant 0 : i32
      %dma_wait3A_321 = arith.constant 0 : i32
      %dma_wait3A_322 = tpu.memref_slice %arg4[%dma_wait3A_320, %dma_wait3A_321] : memref<1000000x32xf32, #tpu.memory_space<hbm>> -> memref<1000000x32xf32, #tpu.memory_space<hbm>>
      tpu.wait_indirect_dma semaphore(%arg14 : memref<!tpu.dma_semaphore, #tpu.memory_space<semaphore_mem>>) src(%dma_wait3A_322 : memref<1000000x32xf32, #tpu.memory_space<hbm>>) dst(%dma_wait3A_316 : memref<128x32xf32, #tpu.memory_space<vmem>>)
      %dma_wait3A_323 = arith.constant 1 : i32
      %dma_wait3A_324 = arith.constant 768 : i32
      %dma_wait3A_325 = arith.constant 0 : i32
      %dma_wait3A_326 = tpu.memref_slice %arg9[%dma_wait3A_324, %dma_wait3A_325] : memref<1280x32xf32, #tpu.memory_space<vmem>> -> memref<128x32xf32, #tpu.memory_space<vmem>>
      %dma_wait3A_327 = arith.constant 0 : i32
      %dma_wait3A_328 = tpu.memref_slice %arg7[%dma_wait3A_323, %dma_wait3A_327] : memref<5x128xi32, #tpu.memory_space<vmem>> -> memref<1x128xi32, #tpu.memory_space<vmem>>
      %dma_wait3A_329 = tpu.memref_squeeze %dma_wait3A_328 : memref<1x128xi32, #tpu.memory_space<vmem>> -> memref<128xi32, #tpu.memory_space<vmem>>
      %dma_wait3A_330 = arith.constant 0 : i32
      %dma_wait3A_331 = arith.constant 0 : i32
      %dma_wait3A_332 = tpu.memref_slice %arg4[%dma_wait3A_330, %dma_wait3A_331] : memref<1000000x32xf32, #tpu.memory_space<hbm>> -> memref<1000000x32xf32, #tpu.memory_space<hbm>>
      tpu.wait_indirect_dma semaphore(%arg14 : memref<!tpu.dma_semaphore, #tpu.memory_space<semaphore_mem>>) src(%dma_wait3A_332 : memref<1000000x32xf32, #tpu.memory_space<hbm>>) dst(%dma_wait3A_326 : memref<128x32xf32, #tpu.memory_space<vmem>>)
      %dma_wait3A_333 = arith.constant 2 : i32
      %dma_wait3A_334 = arith.constant 896 : i32
      %dma_wait3A_335 = arith.constant 0 : i32
      %dma_wait3A_336 = tpu.memref_slice %arg9[%dma_wait3A_334, %dma_wait3A_335] : memref<1280x32xf32, #tpu.memory_space<vmem>> -> memref<128x32xf32, #tpu.memory_space<vmem>>
      %dma_wait3A_337 = arith.constant 0 : i32
      %dma_wait3A_338 = tpu.memref_slice %arg7[%dma_wait3A_333, %dma_wait3A_337] : memref<5x128xi32, #tpu.memory_space<vmem>> -> memref<1x128xi32, #tpu.memory_space<vmem>>
      %dma_wait3A_339 = tpu.memref_squeeze %dma_wait3A_338 : memref<1x128xi32, #tpu.memory_space<vmem>> -> memref<128xi32, #tpu.memory_space<vmem>>
      %dma_wait3A_340 = arith.constant 0 : i32
      %dma_wait3A_341 = arith.constant 0 : i32
      %dma_wait3A_342 = tpu.memref_slice %arg4[%dma_wait3A_340, %dma_wait3A_341] : memref<1000000x32xf32, #tpu.memory_space<hbm>> -> memref<1000000x32xf32, #tpu.memory_space<hbm>>
      tpu.wait_indirect_dma semaphore(%arg14 : memref<!tpu.dma_semaphore, #tpu.memory_space<semaphore_mem>>) src(%dma_wait3A_342 : memref<1000000x32xf32, #tpu.memory_space<hbm>>) dst(%dma_wait3A_336 : memref<128x32xf32, #tpu.memory_space<vmem>>)
      %dma_wait3A_343 = arith.constant 3 : i32
      %dma_wait3A_344 = arith.constant 1024 : i32
      %dma_wait3A_345 = arith.constant 0 : i32
      %dma_wait3A_346 = tpu.memref_slice %arg9[%dma_wait3A_344, %dma_wait3A_345] : memref<1280x32xf32, #tpu.memory_space<vmem>> -> memref<128x32xf32, #tpu.memory_space<vmem>>
      %dma_wait3A_347 = arith.constant 0 : i32
      %dma_wait3A_348 = tpu.memref_slice %arg7[%dma_wait3A_343, %dma_wait3A_347] : memref<5x128xi32, #tpu.memory_space<vmem>> -> memref<1x128xi32, #tpu.memory_space<vmem>>
      %dma_wait3A_349 = tpu.memref_squeeze %dma_wait3A_348 : memref<1x128xi32, #tpu.memory_space<vmem>> -> memref<128xi32, #tpu.memory_space<vmem>>
      %dma_wait3A_350 = arith.constant 0 : i32
      %dma_wait3A_351 = arith.constant 0 : i32
      %dma_wait3A_352 = tpu.memref_slice %arg4[%dma_wait3A_350, %dma_wait3A_351] : memref<1000000x32xf32, #tpu.memory_space<hbm>> -> memref<1000000x32xf32, #tpu.memory_space<hbm>>
      tpu.wait_indirect_dma semaphore(%arg14 : memref<!tpu.dma_semaphore, #tpu.memory_space<semaphore_mem>>) src(%dma_wait3A_352 : memref<1000000x32xf32, #tpu.memory_space<hbm>>) dst(%dma_wait3A_346 : memref<128x32xf32, #tpu.memory_space<vmem>>)
      %dma_wait3A_353 = arith.constant 4 : i32
      %dma_wait3A_354 = arith.constant 1152 : i32
      %dma_wait3A_355 = arith.constant 0 : i32
      %dma_wait3A_356 = tpu.memref_slice %arg9[%dma_wait3A_354, %dma_wait3A_355] : memref<1280x32xf32, #tpu.memory_space<vmem>> -> memref<128x32xf32, #tpu.memory_space<vmem>>
      %dma_wait3A_357 = arith.constant 0 : i32
      %dma_wait3A_358 = tpu.memref_slice %arg7[%dma_wait3A_353, %dma_wait3A_357] : memref<5x128xi32, #tpu.memory_space<vmem>> -> memref<1x128xi32, #tpu.memory_space<vmem>>
      %dma_wait3A_359 = tpu.memref_squeeze %dma_wait3A_358 : memref<1x128xi32, #tpu.memory_space<vmem>> -> memref<128xi32, #tpu.memory_space<vmem>>
      %dma_wait3A_360 = arith.constant 0 : i32
      %dma_wait3A_361 = arith.constant 0 : i32
      %dma_wait3A_362 = tpu.memref_slice %arg4[%dma_wait3A_360, %dma_wait3A_361] : memref<1000000x32xf32, #tpu.memory_space<hbm>> -> memref<1000000x32xf32, #tpu.memory_space<hbm>>
      tpu.wait_indirect_dma semaphore(%arg14 : memref<!tpu.dma_semaphore, #tpu.memory_space<semaphore_mem>>) src(%dma_wait3A_362 : memref<1000000x32xf32, #tpu.memory_space<hbm>>) dst(%dma_wait3A_356 : memref<128x32xf32, #tpu.memory_space<vmem>>)
      %scan3A_363 = arith.constant 0 : i32
      %scan3A_364 = arith.constant 0 : i32
      %scan3A_365 = arith.constant 128 : i32
      %scan3A_366 = arith.addi %scan3A_364, %scan3A_365 : i32
      %scan3A_367 = arith.constant 1 : i32
      scf.for %scan3A_532 = %scan3A_364 to %scan3A_366 step %scan3A_367  : i32 {
        %mul3A_533 = arith.constant 0 : i32
        %mul3A_534 = vector.broadcast %mul3A_533 : i32 to vector<16xi32>
        %mul3A_535 = arith.muli %iota3A, %mul3A_534 : vector<16xi32>
        %add3A_536 = vector.broadcast %scan3A_532 : i32 to vector<16xi32>
        %add3A_537 = arith.addi %mul3A_535, %add3A_536 : vector<16xi32>
        %broadcast_in_dim3A = arith.constant 0 : i32
        %broadcast_in_dim3A_538 = vector.broadcast %broadcast_in_dim3A : i32 to vector<16xi32>
        %add3A_539 = arith.constant 640 : i32
        %add3A_540 = arith.addi %add3A_539, %scan3A_532 : i32
        %get3A = arith.index_cast %add3A_540 : i32 to index
        %get3A_541 = arith.constant 0 : index
        %get3A_542 = tpu.vector_load %arg9[%get3A, %get3A_541] {strides = array<i32>} : memref<1280x32xf32, #tpu.memory_space<vmem>>, vector<16xf32>,
        %add3A_543 = arith.constant 0 : i32
        %add3A_544 = vector.broadcast %add3A_543 : i32 to vector<16xi32>
        %add3A_545 = arith.addi %add3A_544, %iota3A : vector<16xi32>
        tpu.vector_store_idx %arg12[%broadcast_in_dim3A_538, %add3A_545, %add3A_537], %get3A_542 : memref<5x32x129xf32, #tpu.memory_space<vmem>>[vector<16xi32>, vector<16xi32>, vector<16xi32>], vector<16xf32>,
        %add3A_546 = arith.constant 640 : i32
        %add3A_547 = arith.addi %add3A_546, %scan3A_532 : i32
        %get3A_548 = arith.index_cast %add3A_547 : i32 to index
        %get3A_549 = arith.constant 16 : index
        %get3A_550 = tpu.vector_load %arg9[%get3A_548, %get3A_549] {strides = array<i32>} : memref<1280x32xf32, #tpu.memory_space<vmem>>, vector<16xf32>,
        %add3A_551 = arith.constant 16 : i32
        %add3A_552 = vector.broadcast %add3A_551 : i32 to vector<16xi32>
        %add3A_553 = arith.addi %add3A_552, %iota3A : vector<16xi32>
        tpu.vector_store_idx %arg12[%broadcast_in_dim3A_538, %add3A_553, %add3A_537], %get3A_550 : memref<5x32x129xf32, #tpu.memory_space<vmem>>[vector<16xi32>, vector<16xi32>, vector<16xi32>], vector<16xf32>,
        %broadcast_in_dim3A_554 = arith.constant 1 : i32
        %broadcast_in_dim3A_555 = vector.broadcast %broadcast_in_dim3A_554 : i32 to vector<16xi32>
        %add3A_556 = arith.constant 768 : i32
        %add3A_557 = arith.addi %add3A_556, %scan3A_532 : i32
        %get3A_558 = arith.index_cast %add3A_557 : i32 to index
        %get3A_559 = arith.constant 0 : index
        %get3A_560 = tpu.vector_load %arg9[%get3A_558, %get3A_559] {strides = array<i32>} : memref<1280x32xf32, #tpu.memory_space<vmem>>, vector<16xf32>,
        %add3A_561 = arith.constant 0 : i32
        %add3A_562 = vector.broadcast %add3A_561 : i32 to vector<16xi32>
        %add3A_563 = arith.addi %add3A_562, %iota3A : vector<16xi32>
        tpu.vector_store_idx %arg12[%broadcast_in_dim3A_555, %add3A_563, %add3A_537], %get3A_560 : memref<5x32x129xf32, #tpu.memory_space<vmem>>[vector<16xi32>, vector<16xi32>, vector<16xi32>], vector<16xf32>,
        %add3A_564 = arith.constant 768 : i32
        %add3A_565 = arith.addi %add3A_564, %scan3A_532 : i32
        %get3A_566 = arith.index_cast %add3A_565 : i32 to index
        %get3A_567 = arith.constant 16 : index
        %get3A_568 = tpu.vector_load %arg9[%get3A_566, %get3A_567] {strides = array<i32>} : memref<1280x32xf32, #tpu.memory_space<vmem>>, vector<16xf32>,
        %add3A_569 = arith.constant 16 : i32
        %add3A_570 = vector.broadcast %add3A_569 : i32 to vector<16xi32>
        %add3A_571 = arith.addi %add3A_570, %iota3A : vector<16xi32>
        tpu.vector_store_idx %arg12[%broadcast_in_dim3A_555, %add3A_571, %add3A_537], %get3A_568 : memref<5x32x129xf32, #tpu.memory_space<vmem>>[vector<16xi32>, vector<16xi32>, vector<16xi32>], vector<16xf32>,
        %broadcast_in_dim3A_572 = arith.constant 2 : i32
        %broadcast_in_dim3A_573 = vector.broadcast %broadcast_in_dim3A_572 : i32 to vector<16xi32>
        %add3A_574 = arith.constant 896 : i32
        %add3A_575 = arith.addi %add3A_574, %scan3A_532 : i32
        %get3A_576 = arith.index_cast %add3A_575 : i32 to index
        %get3A_577 = arith.constant 0 : index
        %get3A_578 = tpu.vector_load %arg9[%get3A_576, %get3A_577] {strides = array<i32>} : memref<1280x32xf32, #tpu.memory_space<vmem>>, vector<16xf32>,
        %add3A_579 = arith.constant 0 : i32
        %add3A_580 = vector.broadcast %add3A_579 : i32 to vector<16xi32>
        %add3A_581 = arith.addi %add3A_580, %iota3A : vector<16xi32>
        tpu.vector_store_idx %arg12[%broadcast_in_dim3A_573, %add3A_581, %add3A_537], %get3A_578 : memref<5x32x129xf32, #tpu.memory_space<vmem>>[vector<16xi32>, vector<16xi32>, vector<16xi32>], vector<16xf32>,
        %add3A_582 = arith.constant 896 : i32
        %add3A_583 = arith.addi %add3A_582, %scan3A_532 : i32
        %get3A_584 = arith.index_cast %add3A_583 : i32 to index
        %get3A_585 = arith.constant 16 : index
        %get3A_586 = tpu.vector_load %arg9[%get3A_584, %get3A_585] {strides = array<i32>} : memref<1280x32xf32, #tpu.memory_space<vmem>>, vector<16xf32>,
        %add3A_587 = arith.constant 16 : i32
        %add3A_588 = vector.broadcast %add3A_587 : i32 to vector<16xi32>
        %add3A_589 = arith.addi %add3A_588, %iota3A : vector<16xi32>
        tpu.vector_store_idx %arg12[%broadcast_in_dim3A_573, %add3A_589, %add3A_537], %get3A_586 : memref<5x32x129xf32, #tpu.memory_space<vmem>>[vector<16xi32>, vector<16xi32>, vector<16xi32>], vector<16xf32>,
        %broadcast_in_dim3A_590 = arith.constant 3 : i32
        %broadcast_in_dim3A_591 = vector.broadcast %broadcast_in_dim3A_590 : i32 to vector<16xi32>
        %add3A_592 = arith.constant 1024 : i32
        %add3A_593 = arith.addi %add3A_592, %scan3A_532 : i32
        %get3A_594 = arith.index_cast %add3A_593 : i32 to index
        %get3A_595 = arith.constant 0 : index
        %get3A_596 = tpu.vector_load %arg9[%get3A_594, %get3A_595] {strides = array<i32>} : memref<1280x32xf32, #tpu.memory_space<vmem>>, vector<16xf32>,
        %add3A_597 = arith.constant 0 : i32
        %add3A_598 = vector.broadcast %add3A_597 : i32 to vector<16xi32>
        %add3A_599 = arith.addi %add3A_598, %iota3A : vector<16xi32>
        tpu.vector_store_idx %arg12[%broadcast_in_dim3A_591, %add3A_599, %add3A_537], %get3A_596 : memref<5x32x129xf32, #tpu.memory_space<vmem>>[vector<16xi32>, vector<16xi32>, vector<16xi32>], vector<16xf32>,
        %add3A_600 = arith.constant 1024 : i32
        %add3A_601 = arith.addi %add3A_600, %scan3A_532 : i32
        %get3A_602 = arith.index_cast %add3A_601 : i32 to index
        %get3A_603 = arith.constant 16 : index
        %get3A_604 = tpu.vector_load %arg9[%get3A_602, %get3A_603] {strides = array<i32>} : memref<1280x32xf32, #tpu.memory_space<vmem>>, vector<16xf32>,
        %add3A_605 = arith.constant 16 : i32
        %add3A_606 = vector.broadcast %add3A_605 : i32 to vector<16xi32>
        %add3A_607 = arith.addi %add3A_606, %iota3A : vector<16xi32>
        tpu.vector_store_idx %arg12[%broadcast_in_dim3A_591, %add3A_607, %add3A_537], %get3A_604 : memref<5x32x129xf32, #tpu.memory_space<vmem>>[vector<16xi32>, vector<16xi32>, vector<16xi32>], vector<16xf32>,
        %broadcast_in_dim3A_608 = arith.constant 4 : i32
        %broadcast_in_dim3A_609 = vector.broadcast %broadcast_in_dim3A_608 : i32 to vector<16xi32>
        %add3A_610 = arith.constant 1152 : i32
        %add3A_611 = arith.addi %add3A_610, %scan3A_532 : i32
        %get3A_612 = arith.index_cast %add3A_611 : i32 to index
        %get3A_613 = arith.constant 0 : index
        %get3A_614 = tpu.vector_load %arg9[%get3A_612, %get3A_613] {strides = array<i32>} : memref<1280x32xf32, #tpu.memory_space<vmem>>, vector<16xf32>,
        %add3A_615 = arith.constant 0 : i32
        %add3A_616 = vector.broadcast %add3A_615 : i32 to vector<16xi32>
        %add3A_617 = arith.addi %add3A_616, %iota3A : vector<16xi32>
        tpu.vector_store_idx %arg12[%broadcast_in_dim3A_609, %add3A_617, %add3A_537], %get3A_614 : memref<5x32x129xf32, #tpu.memory_space<vmem>>[vector<16xi32>, vector<16xi32>, vector<16xi32>], vector<16xf32>,
        %add3A_618 = arith.constant 1152 : i32
        %add3A_619 = arith.addi %add3A_618, %scan3A_532 : i32
        %get3A_620 = arith.index_cast %add3A_619 : i32 to index
        %get3A_621 = arith.constant 16 : index
        %get3A_622 = tpu.vector_load %arg9[%get3A_620, %get3A_621] {strides = array<i32>} : memref<1280x32xf32, #tpu.memory_space<vmem>>, vector<16xf32>,
        %add3A_623 = arith.constant 16 : i32
        %add3A_624 = vector.broadcast %add3A_623 : i32 to vector<16xi32>
        %add3A_625 = arith.addi %add3A_624, %iota3A : vector<16xi32>
        tpu.vector_store_idx %arg12[%broadcast_in_dim3A_609, %add3A_625, %add3A_537], %get3A_622 : memref<5x32x129xf32, #tpu.memory_space<vmem>>[vector<16xi32>, vector<16xi32>, vector<16xi32>], vector<16xf32>,
      }
      %scan3A_368 = arith.constant 128 : i32
      %dma_start3A_369 = arith.constant 0 : i32
      %dma_start3A_370 = arith.constant 0 : i32
      %dma_start3A_371 = arith.constant 0 : i32
      %dma_start3A_372 = tpu.memref_slice %arg12[%dma_start3A_369, %dma_start3A_370, %dma_start3A_371] : memref<5x32x129xf32, #tpu.memory_space<vmem>> -> memref<5x32x128xf32, #tpu.memory_space<vmem>>
      %dma_start3A_373 = arith.constant 0 : i32
      %dma_start3A_374 = tpu.memref_slice %arg6[%mul3A_242, %dma_start3A_373, %mul3A_2] : memref<200x32x4096xf32, #tpu.memory_space<hbm>> -> memref<5x32x128xf32, #tpu.memory_space<hbm>>
      %dma_start3A_375 = arith.constant 0 : i32
      %dma_start3A_376 = tpu.memref_slice %arg6[%mul3A_242, %dma_start3A_375, %mul3A_2] : memref<200x32x4096xf32, #tpu.memory_space<hbm>> -> memref<5x32x128xf32, #tpu.memory_space<hbm>>
      %dma_start3A_377 = arith.constant 0 : i32
      %dma_start3A_378 = arith.constant 0 : i32
      %dma_start3A_379 = arith.constant 0 : i32
      %dma_start3A_380 = tpu.memref_slice %arg12[%dma_start3A_377, %dma_start3A_378, %dma_start3A_379] : memref<5x32x129xf32, #tpu.memory_space<vmem>> -> memref<5x32x128xf32, #tpu.memory_space<vmem>>
      tpu.enqueue_dma source(%dma_start3A_380 : memref<5x32x128xf32, #tpu.memory_space<vmem>>) target(%dma_start3A_376 : memref<5x32x128xf32, #tpu.memory_space<hbm>>) target_semaphore(%arg16 : memref<!tpu.dma_semaphore, #tpu.memory_space<semaphore_mem>>)
      %add3A_381 = arith.constant 2 : i32
      %add3A_382 = arith.addi %mul3A_136, %add3A_381 : i32
      %lt3A = arith.constant 40 : i32
      %lt3A_383 = arith.cmpi slt, %add3A_382, %lt3A : i32
      %convert_element_type3A_384 = arith.extui %lt3A_383 : i1 to i32
      %cond3A_385 = arith.constant 0 : i32
      %cond3A_386 = arith.cmpi ne, %convert_element_type3A_384, %cond3A_385 : i32
      scf.if %cond3A_386 {
        %add3A_532 = arith.constant 2 : i32
        %add3A_533 = arith.addi %mul3A_136, %add3A_532 : i32
        %mul3A_534 = arith.constant 5 : i32
        %mul3A_535 = arith.muli %add3A_533, %mul3A_534 : i32
        "tpu.region"() ({
          %run_scoped3A = tpu.sem_alloc : memref<!tpu.dma_semaphore, #tpu.memory_space<semaphore_mem>>
          %dma_start3A_636 = tpu.memref_slice %arg2[%mul3A_535, %mul3A_2] : memref<200x4096xi32, #tpu.memory_space<hbm>> -> memref<5x128xi32, #tpu.memory_space<hbm>>
          %dma_start3A_637 = tpu.memref_slice %arg2[%mul3A_535, %mul3A_2] : memref<200x4096xi32, #tpu.memory_space<hbm>> -> memref<5x128xi32, #tpu.memory_space<hbm>>
          tpu.enqueue_dma source(%dma_start3A_637 : memref<5x128xi32, #tpu.memory_space<hbm>>) target(%arg7 : memref<5x128xi32, #tpu.memory_space<vmem>>) target_semaphore(%run_scoped3A : memref<!tpu.dma_semaphore, #tpu.memory_space<semaphore_mem>>)
          %dma_wait3A_638 = tpu.memref_slice %arg2[%mul3A_535, %mul3A_2] : memref<200x4096xi32, #tpu.memory_space<hbm>> -> memref<5x128xi32, #tpu.memory_space<hbm>>
          %dma_wait3A_639 = tpu.memref_slice %arg2[%mul3A_535, %mul3A_2] : memref<200x4096xi32, #tpu.memory_space<hbm>> -> memref<5x128xi32, #tpu.memory_space<hbm>>
          tpu.wait_dma2 semaphore(%run_scoped3A : memref<!tpu.dma_semaphore, #tpu.memory_space<semaphore_mem>>) src(%dma_wait3A_639 : memref<5x128xi32, #tpu.memory_space<hbm>>) dst(%arg7 : memref<5x128xi32, #tpu.memory_space<vmem>>)
          tpu.yield
        }) : () -> ()
        %dma_start3A_536 = arith.constant 0 : i32
        %dma_start3A_537 = arith.constant 0 : i32
        %dma_start3A_538 = arith.constant 0 : i32
        %dma_start3A_539 = tpu.memref_slice %arg9[%dma_start3A_537, %dma_start3A_538] : memref<1280x32xf32, #tpu.memory_space<vmem>> -> memref<128x32xf32, #tpu.memory_space<vmem>>
        %dma_start3A_540 = arith.constant 0 : i32
        %dma_start3A_541 = tpu.memref_slice %arg7[%dma_start3A_536, %dma_start3A_540] : memref<5x128xi32, #tpu.memory_space<vmem>> -> memref<1x128xi32, #tpu.memory_space<vmem>>
        %dma_start3A_542 = tpu.memref_squeeze %dma_start3A_541 : memref<1x128xi32, #tpu.memory_space<vmem>> -> memref<128xi32, #tpu.memory_space<vmem>>
        %dma_start3A_543 = arith.constant 0 : i32
        %dma_start3A_544 = arith.constant 0 : i32
        %dma_start3A_545 = tpu.memref_slice %arg3[%dma_start3A_543, %dma_start3A_544] : memref<1000000x32xf32, #tpu.memory_space<hbm>> -> memref<1000000x32xf32, #tpu.memory_space<hbm>>
        tpu.enqueue_indirect_dma source(%dma_start3A_545 : memref<1000000x32xf32, #tpu.memory_space<hbm>>) target(%dma_start3A_539 : memref<128x32xf32, #tpu.memory_space<vmem>>) offsets(%dma_start3A_542 : memref<128xi32, #tpu.memory_space<vmem>>) semaphore(%arg13 : memref<!tpu.dma_semaphore, #tpu.memory_space<semaphore_mem>>)
        %dma_start3A_546 = arith.constant 0 : i32
        %dma_start3A_547 = arith.constant 640 : i32
        %dma_start3A_548 = arith.constant 0 : i32
        %dma_start3A_549 = tpu.memref_slice %arg9[%dma_start3A_547, %dma_start3A_548] : memref<1280x32xf32, #tpu.memory_space<vmem>> -> memref<128x32xf32, #tpu.memory_space<vmem>>
        %dma_start3A_550 = arith.constant 0 : i32
        %dma_start3A_551 = tpu.memref_slice %arg7[%dma_start3A_546, %dma_start3A_550] : memref<5x128xi32, #tpu.memory_space<vmem>> -> memref<1x128xi32, #tpu.memory_space<vmem>>
        %dma_start3A_552 = tpu.memref_squeeze %dma_start3A_551 : memref<1x128xi32, #tpu.memory_space<vmem>> -> memref<128xi32, #tpu.memory_space<vmem>>
        %dma_start3A_553 = arith.constant 0 : i32
        %dma_start3A_554 = arith.constant 0 : i32
        %dma_start3A_555 = tpu.memref_slice %arg4[%dma_start3A_553, %dma_start3A_554] : memref<1000000x32xf32, #tpu.memory_space<hbm>> -> memref<1000000x32xf32, #tpu.memory_space<hbm>>
        tpu.enqueue_indirect_dma source(%dma_start3A_555 : memref<1000000x32xf32, #tpu.memory_space<hbm>>) target(%dma_start3A_549 : memref<128x32xf32, #tpu.memory_space<vmem>>) offsets(%dma_start3A_552 : memref<128xi32, #tpu.memory_space<vmem>>) semaphore(%arg14 : memref<!tpu.dma_semaphore, #tpu.memory_space<semaphore_mem>>)
        %dma_start3A_556 = arith.constant 1 : i32
        %dma_start3A_557 = arith.constant 128 : i32
        %dma_start3A_558 = arith.constant 0 : i32
        %dma_start3A_559 = tpu.memref_slice %arg9[%dma_start3A_557, %dma_start3A_558] : memref<1280x32xf32, #tpu.memory_space<vmem>> -> memref<128x32xf32, #tpu.memory_space<vmem>>
        %dma_start3A_560 = arith.constant 0 : i32
        %dma_start3A_561 = tpu.memref_slice %arg7[%dma_start3A_556, %dma_start3A_560] : memref<5x128xi32, #tpu.memory_space<vmem>> -> memref<1x128xi32, #tpu.memory_space<vmem>>
        %dma_start3A_562 = tpu.memref_squeeze %dma_start3A_561 : memref<1x128xi32, #tpu.memory_space<vmem>> -> memref<128xi32, #tpu.memory_space<vmem>>
        %dma_start3A_563 = arith.constant 0 : i32
        %dma_start3A_564 = arith.constant 0 : i32
        %dma_start3A_565 = tpu.memref_slice %arg3[%dma_start3A_563, %dma_start3A_564] : memref<1000000x32xf32, #tpu.memory_space<hbm>> -> memref<1000000x32xf32, #tpu.memory_space<hbm>>
        tpu.enqueue_indirect_dma source(%dma_start3A_565 : memref<1000000x32xf32, #tpu.memory_space<hbm>>) target(%dma_start3A_559 : memref<128x32xf32, #tpu.memory_space<vmem>>) offsets(%dma_start3A_562 : memref<128xi32, #tpu.memory_space<vmem>>) semaphore(%arg13 : memref<!tpu.dma_semaphore, #tpu.memory_space<semaphore_mem>>)
        %dma_start3A_566 = arith.constant 1 : i32
        %dma_start3A_567 = arith.constant 768 : i32
        %dma_start3A_568 = arith.constant 0 : i32
        %dma_start3A_569 = tpu.memref_slice %arg9[%dma_start3A_567, %dma_start3A_568] : memref<1280x32xf32, #tpu.memory_space<vmem>> -> memref<128x32xf32, #tpu.memory_space<vmem>>
        %dma_start3A_570 = arith.constant 0 : i32
        %dma_start3A_571 = tpu.memref_slice %arg7[%dma_start3A_566, %dma_start3A_570] : memref<5x128xi32, #tpu.memory_space<vmem>> -> memref<1x128xi32, #tpu.memory_space<vmem>>
        %dma_start3A_572 = tpu.memref_squeeze %dma_start3A_571 : memref<1x128xi32, #tpu.memory_space<vmem>> -> memref<128xi32, #tpu.memory_space<vmem>>
        %dma_start3A_573 = arith.constant 0 : i32
        %dma_start3A_574 = arith.constant 0 : i32
        %dma_start3A_575 = tpu.memref_slice %arg4[%dma_start3A_573, %dma_start3A_574] : memref<1000000x32xf32, #tpu.memory_space<hbm>> -> memref<1000000x32xf32, #tpu.memory_space<hbm>>
        tpu.enqueue_indirect_dma source(%dma_start3A_575 : memref<1000000x32xf32, #tpu.memory_space<hbm>>) target(%dma_start3A_569 : memref<128x32xf32, #tpu.memory_space<vmem>>) offsets(%dma_start3A_572 : memref<128xi32, #tpu.memory_space<vmem>>) semaphore(%arg14 : memref<!tpu.dma_semaphore, #tpu.memory_space<semaphore_mem>>)
        %dma_start3A_576 = arith.constant 2 : i32
        %dma_start3A_577 = arith.constant 256 : i32
        %dma_start3A_578 = arith.constant 0 : i32
        %dma_start3A_579 = tpu.memref_slice %arg9[%dma_start3A_577, %dma_start3A_578] : memref<1280x32xf32, #tpu.memory_space<vmem>> -> memref<128x32xf32, #tpu.memory_space<vmem>>
        %dma_start3A_580 = arith.constant 0 : i32
        %dma_start3A_581 = tpu.memref_slice %arg7[%dma_start3A_576, %dma_start3A_580] : memref<5x128xi32, #tpu.memory_space<vmem>> -> memref<1x128xi32, #tpu.memory_space<vmem>>
        %dma_start3A_582 = tpu.memref_squeeze %dma_start3A_581 : memref<1x128xi32, #tpu.memory_space<vmem>> -> memref<128xi32, #tpu.memory_space<vmem>>
        %dma_start3A_583 = arith.constant 0 : i32
        %dma_start3A_584 = arith.constant 0 : i32
        %dma_start3A_585 = tpu.memref_slice %arg3[%dma_start3A_583, %dma_start3A_584] : memref<1000000x32xf32, #tpu.memory_space<hbm>> -> memref<1000000x32xf32, #tpu.memory_space<hbm>>
        tpu.enqueue_indirect_dma source(%dma_start3A_585 : memref<1000000x32xf32, #tpu.memory_space<hbm>>) target(%dma_start3A_579 : memref<128x32xf32, #tpu.memory_space<vmem>>) offsets(%dma_start3A_582 : memref<128xi32, #tpu.memory_space<vmem>>) semaphore(%arg13 : memref<!tpu.dma_semaphore, #tpu.memory_space<semaphore_mem>>)
        %dma_start3A_586 = arith.constant 2 : i32
        %dma_start3A_587 = arith.constant 896 : i32
        %dma_start3A_588 = arith.constant 0 : i32
        %dma_start3A_589 = tpu.memref_slice %arg9[%dma_start3A_587, %dma_start3A_588] : memref<1280x32xf32, #tpu.memory_space<vmem>> -> memref<128x32xf32, #tpu.memory_space<vmem>>
        %dma_start3A_590 = arith.constant 0 : i32
        %dma_start3A_591 = tpu.memref_slice %arg7[%dma_start3A_586, %dma_start3A_590] : memref<5x128xi32, #tpu.memory_space<vmem>> -> memref<1x128xi32, #tpu.memory_space<vmem>>
        %dma_start3A_592 = tpu.memref_squeeze %dma_start3A_591 : memref<1x128xi32, #tpu.memory_space<vmem>> -> memref<128xi32, #tpu.memory_space<vmem>>
        %dma_start3A_593 = arith.constant 0 : i32
        %dma_start3A_594 = arith.constant 0 : i32
        %dma_start3A_595 = tpu.memref_slice %arg4[%dma_start3A_593, %dma_start3A_594] : memref<1000000x32xf32, #tpu.memory_space<hbm>> -> memref<1000000x32xf32, #tpu.memory_space<hbm>>
        tpu.enqueue_indirect_dma source(%dma_start3A_595 : memref<1000000x32xf32, #tpu.memory_space<hbm>>) target(%dma_start3A_589 : memref<128x32xf32, #tpu.memory_space<vmem>>) offsets(%dma_start3A_592 : memref<128xi32, #tpu.memory_space<vmem>>) semaphore(%arg14 : memref<!tpu.dma_semaphore, #tpu.memory_space<semaphore_mem>>)
        %dma_start3A_596 = arith.constant 3 : i32
        %dma_start3A_597 = arith.constant 384 : i32
        %dma_start3A_598 = arith.constant 0 : i32
        %dma_start3A_599 = tpu.memref_slice %arg9[%dma_start3A_597, %dma_start3A_598] : memref<1280x32xf32, #tpu.memory_space<vmem>> -> memref<128x32xf32, #tpu.memory_space<vmem>>
        %dma_start3A_600 = arith.constant 0 : i32
        %dma_start3A_601 = tpu.memref_slice %arg7[%dma_start3A_596, %dma_start3A_600] : memref<5x128xi32, #tpu.memory_space<vmem>> -> memref<1x128xi32, #tpu.memory_space<vmem>>
        %dma_start3A_602 = tpu.memref_squeeze %dma_start3A_601 : memref<1x128xi32, #tpu.memory_space<vmem>> -> memref<128xi32, #tpu.memory_space<vmem>>
        %dma_start3A_603 = arith.constant 0 : i32
        %dma_start3A_604 = arith.constant 0 : i32
        %dma_start3A_605 = tpu.memref_slice %arg3[%dma_start3A_603, %dma_start3A_604] : memref<1000000x32xf32, #tpu.memory_space<hbm>> -> memref<1000000x32xf32, #tpu.memory_space<hbm>>
        tpu.enqueue_indirect_dma source(%dma_start3A_605 : memref<1000000x32xf32, #tpu.memory_space<hbm>>) target(%dma_start3A_599 : memref<128x32xf32, #tpu.memory_space<vmem>>) offsets(%dma_start3A_602 : memref<128xi32, #tpu.memory_space<vmem>>) semaphore(%arg13 : memref<!tpu.dma_semaphore, #tpu.memory_space<semaphore_mem>>)
        %dma_start3A_606 = arith.constant 3 : i32
        %dma_start3A_607 = arith.constant 1024 : i32
        %dma_start3A_608 = arith.constant 0 : i32
        %dma_start3A_609 = tpu.memref_slice %arg9[%dma_start3A_607, %dma_start3A_608] : memref<1280x32xf32, #tpu.memory_space<vmem>> -> memref<128x32xf32, #tpu.memory_space<vmem>>
        %dma_start3A_610 = arith.constant 0 : i32
        %dma_start3A_611 = tpu.memref_slice %arg7[%dma_start3A_606, %dma_start3A_610] : memref<5x128xi32, #tpu.memory_space<vmem>> -> memref<1x128xi32, #tpu.memory_space<vmem>>
        %dma_start3A_612 = tpu.memref_squeeze %dma_start3A_611 : memref<1x128xi32, #tpu.memory_space<vmem>> -> memref<128xi32, #tpu.memory_space<vmem>>
        %dma_start3A_613 = arith.constant 0 : i32
        %dma_start3A_614 = arith.constant 0 : i32
        %dma_start3A_615 = tpu.memref_slice %arg4[%dma_start3A_613, %dma_start3A_614] : memref<1000000x32xf32, #tpu.memory_space<hbm>> -> memref<1000000x32xf32, #tpu.memory_space<hbm>>
        tpu.enqueue_indirect_dma source(%dma_start3A_615 : memref<1000000x32xf32, #tpu.memory_space<hbm>>) target(%dma_start3A_609 : memref<128x32xf32, #tpu.memory_space<vmem>>) offsets(%dma_start3A_612 : memref<128xi32, #tpu.memory_space<vmem>>) semaphore(%arg14 : memref<!tpu.dma_semaphore, #tpu.memory_space<semaphore_mem>>)
        %dma_start3A_616 = arith.constant 4 : i32
        %dma_start3A_617 = arith.constant 512 : i32
        %dma_start3A_618 = arith.constant 0 : i32
        %dma_start3A_619 = tpu.memref_slice %arg9[%dma_start3A_617, %dma_start3A_618] : memref<1280x32xf32, #tpu.memory_space<vmem>> -> memref<128x32xf32, #tpu.memory_space<vmem>>
        %dma_start3A_620 = arith.constant 0 : i32
        %dma_start3A_621 = tpu.memref_slice %arg7[%dma_start3A_616, %dma_start3A_620] : memref<5x128xi32, #tpu.memory_space<vmem>> -> memref<1x128xi32, #tpu.memory_space<vmem>>
        %dma_start3A_622 = tpu.memref_squeeze %dma_start3A_621 : memref<1x128xi32, #tpu.memory_space<vmem>> -> memref<128xi32, #tpu.memory_space<vmem>>
        %dma_start3A_623 = arith.constant 0 : i32
        %dma_start3A_624 = arith.constant 0 : i32
        %dma_start3A_625 = tpu.memref_slice %arg3[%dma_start3A_623, %dma_start3A_624] : memref<1000000x32xf32, #tpu.memory_space<hbm>> -> memref<1000000x32xf32, #tpu.memory_space<hbm>>
        tpu.enqueue_indirect_dma source(%dma_start3A_625 : memref<1000000x32xf32, #tpu.memory_space<hbm>>) target(%dma_start3A_619 : memref<128x32xf32, #tpu.memory_space<vmem>>) offsets(%dma_start3A_622 : memref<128xi32, #tpu.memory_space<vmem>>) semaphore(%arg13 : memref<!tpu.dma_semaphore, #tpu.memory_space<semaphore_mem>>)
        %dma_start3A_626 = arith.constant 4 : i32
        %dma_start3A_627 = arith.constant 1152 : i32
        %dma_start3A_628 = arith.constant 0 : i32
        %dma_start3A_629 = tpu.memref_slice %arg9[%dma_start3A_627, %dma_start3A_628] : memref<1280x32xf32, #tpu.memory_space<vmem>> -> memref<128x32xf32, #tpu.memory_space<vmem>>
        %dma_start3A_630 = arith.constant 0 : i32
        %dma_start3A_631 = tpu.memref_slice %arg7[%dma_start3A_626, %dma_start3A_630] : memref<5x128xi32, #tpu.memory_space<vmem>> -> memref<1x128xi32, #tpu.memory_space<vmem>>
        %dma_start3A_632 = tpu.memref_squeeze %dma_start3A_631 : memref<1x128xi32, #tpu.memory_space<vmem>> -> memref<128xi32, #tpu.memory_space<vmem>>
        %dma_start3A_633 = arith.constant 0 : i32
        %dma_start3A_634 = arith.constant 0 : i32
        %dma_start3A_635 = tpu.memref_slice %arg4[%dma_start3A_633, %dma_start3A_634] : memref<1000000x32xf32, #tpu.memory_space<hbm>> -> memref<1000000x32xf32, #tpu.memory_space<hbm>>
        tpu.enqueue_indirect_dma source(%dma_start3A_635 : memref<1000000x32xf32, #tpu.memory_space<hbm>>) target(%dma_start3A_629 : memref<128x32xf32, #tpu.memory_space<vmem>>) offsets(%dma_start3A_632 : memref<128xi32, #tpu.memory_space<vmem>>) semaphore(%arg14 : memref<!tpu.dma_semaphore, #tpu.memory_space<semaphore_mem>>)
      } else {
      }
      %add3A_387 = arith.constant 1 : i32
      %add3A_388 = arith.addi %mul3A_136, %add3A_387 : i32
      %mul3A_389 = arith.constant 5 : i32
      %mul3A_390 = arith.muli %add3A_388, %mul3A_389 : i32
      %gt3A_391 = arith.constant 0 : i32
      %gt3A_392 = arith.cmpi sgt, %add3A_388, %gt3A_391 : i32
      %convert_element_type3A_393 = arith.extui %gt3A_392 : i1 to i32
      %cond3A_394 = arith.constant 0 : i32
      %cond3A_395 = arith.cmpi ne, %convert_element_type3A_393, %cond3A_394 : i32
      scf.if %cond3A_395 {
        %sub3A = arith.constant 5 : i32
        %sub3A_532 = arith.subi %mul3A_390, %sub3A : i32
        %dma_wait3A_533 = arith.constant 0 : i32
        %dma_wait3A_534 = arith.constant 0 : i32
        %dma_wait3A_535 = arith.constant 0 : i32
        %dma_wait3A_536 = tpu.memref_slice %arg11[%dma_wait3A_533, %dma_wait3A_534, %dma_wait3A_535] : memref<5x32x129xf32, #tpu.memory_space<vmem>> -> memref<5x32x128xf32, #tpu.memory_space<vmem>>
        %dma_wait3A_537 = arith.constant 0 : i32
        %dma_wait3A_538 = tpu.memref_slice %arg5[%sub3A_532, %dma_wait3A_537, %mul3A_2] : memref<200x32x4096xf32, #tpu.memory_space<hbm>> -> memref<5x32x128xf32, #tpu.memory_space<hbm>>
        %dma_wait3A_539 = arith.constant 0 : i32
        %dma_wait3A_540 = tpu.memref_slice %arg5[%sub3A_532, %dma_wait3A_539, %mul3A_2] : memref<200x32x4096xf32, #tpu.memory_space<hbm>> -> memref<5x32x128xf32, #tpu.memory_space<hbm>>
        %dma_wait3A_541 = arith.constant 0 : i32
        %dma_wait3A_542 = arith.constant 0 : i32
        %dma_wait3A_543 = arith.constant 0 : i32
        %dma_wait3A_544 = tpu.memref_slice %arg11[%dma_wait3A_541, %dma_wait3A_542, %dma_wait3A_543] : memref<5x32x129xf32, #tpu.memory_space<vmem>> -> memref<5x32x128xf32, #tpu.memory_space<vmem>>
        tpu.wait_dma2 semaphore(%arg15 : memref<!tpu.dma_semaphore, #tpu.memory_space<semaphore_mem>>) src(%dma_wait3A_544 : memref<5x32x128xf32, #tpu.memory_space<vmem>>) dst(%dma_wait3A_540 : memref<5x32x128xf32, #tpu.memory_space<hbm>>)
        %sub3A_545 = arith.constant 5 : i32
        %sub3A_546 = arith.subi %mul3A_390, %sub3A_545 : i32
        %dma_wait3A_547 = arith.constant 0 : i32
        %dma_wait3A_548 = arith.constant 0 : i32
        %dma_wait3A_549 = arith.constant 0 : i32
        %dma_wait3A_550 = tpu.memref_slice %arg12[%dma_wait3A_547, %dma_wait3A_548, %dma_wait3A_549] : memref<5x32x129xf32, #tpu.memory_space<vmem>> -> memref<5x32x128xf32, #tpu.memory_space<vmem>>
        %dma_wait3A_551 = arith.constant 0 : i32
        %dma_wait3A_552 = tpu.memref_slice %arg6[%sub3A_546, %dma_wait3A_551, %mul3A_2] : memref<200x32x4096xf32, #tpu.memory_space<hbm>> -> memref<5x32x128xf32, #tpu.memory_space<hbm>>
        %dma_wait3A_553 = arith.constant 0 : i32
        %dma_wait3A_554 = tpu.memref_slice %arg6[%sub3A_546, %dma_wait3A_553, %mul3A_2] : memref<200x32x4096xf32, #tpu.memory_space<hbm>> -> memref<5x32x128xf32, #tpu.memory_space<hbm>>
        %dma_wait3A_555 = arith.constant 0 : i32
        %dma_wait3A_556 = arith.constant 0 : i32
        %dma_wait3A_557 = arith.constant 0 : i32
        %dma_wait3A_558 = tpu.memref_slice %arg12[%dma_wait3A_555, %dma_wait3A_556, %dma_wait3A_557] : memref<5x32x129xf32, #tpu.memory_space<vmem>> -> memref<5x32x128xf32, #tpu.memory_space<vmem>>
        tpu.wait_dma2 semaphore(%arg16 : memref<!tpu.dma_semaphore, #tpu.memory_space<semaphore_mem>>) src(%dma_wait3A_558 : memref<5x32x128xf32, #tpu.memory_space<vmem>>) dst(%dma_wait3A_554 : memref<5x32x128xf32, #tpu.memory_space<hbm>>)
      } else {
      }
      %dma_wait3A_396 = arith.constant 0 : i32
      %dma_wait3A_397 = arith.constant 0 : i32
      %dma_wait3A_398 = arith.constant 0 : i32
      %dma_wait3A_399 = tpu.memref_slice %arg10[%dma_wait3A_397, %dma_wait3A_398] : memref<1280x32xf32, #tpu.memory_space<vmem>> -> memref<128x32xf32, #tpu.memory_space<vmem>>
      %dma_wait3A_400 = arith.constant 0 : i32
      %dma_wait3A_401 = tpu.memref_slice %arg8[%dma_wait3A_396, %dma_wait3A_400] : memref<5x128xi32, #tpu.memory_space<vmem>> -> memref<1x128xi32, #tpu.memory_space<vmem>>
      %dma_wait3A_402 = tpu.memref_squeeze %dma_wait3A_401 : memref<1x128xi32, #tpu.memory_space<vmem>> -> memref<128xi32, #tpu.memory_space<vmem>>
      %dma_wait3A_403 = arith.constant 0 : i32
      %dma_wait3A_404 = arith.constant 0 : i32
      %dma_wait3A_405 = tpu.memref_slice %arg3[%dma_wait3A_403, %dma_wait3A_404] : memref<1000000x32xf32, #tpu.memory_space<hbm>> -> memref<1000000x32xf32, #tpu.memory_space<hbm>>
      tpu.wait_indirect_dma semaphore(%arg13 : memref<!tpu.dma_semaphore, #tpu.memory_space<semaphore_mem>>) src(%dma_wait3A_405 : memref<1000000x32xf32, #tpu.memory_space<hbm>>) dst(%dma_wait3A_399 : memref<128x32xf32, #tpu.memory_space<vmem>>)
      %dma_wait3A_406 = arith.constant 1 : i32
      %dma_wait3A_407 = arith.constant 128 : i32
      %dma_wait3A_408 = arith.constant 0 : i32
      %dma_wait3A_409 = tpu.memref_slice %arg10[%dma_wait3A_407, %dma_wait3A_408] : memref<1280x32xf32, #tpu.memory_space<vmem>> -> memref<128x32xf32, #tpu.memory_space<vmem>>
      %dma_wait3A_410 = arith.constant 0 : i32
      %dma_wait3A_411 = tpu.memref_slice %arg8[%dma_wait3A_406, %dma_wait3A_410] : memref<5x128xi32, #tpu.memory_space<vmem>> -> memref<1x128xi32, #tpu.memory_space<vmem>>
      %dma_wait3A_412 = tpu.memref_squeeze %dma_wait3A_411 : memref<1x128xi32, #tpu.memory_space<vmem>> -> memref<128xi32, #tpu.memory_space<vmem>>
      %dma_wait3A_413 = arith.constant 0 : i32
      %dma_wait3A_414 = arith.constant 0 : i32
      %dma_wait3A_415 = tpu.memref_slice %arg3[%dma_wait3A_413, %dma_wait3A_414] : memref<1000000x32xf32, #tpu.memory_space<hbm>> -> memref<1000000x32xf32, #tpu.memory_space<hbm>>
      tpu.wait_indirect_dma semaphore(%arg13 : memref<!tpu.dma_semaphore, #tpu.memory_space<semaphore_mem>>) src(%dma_wait3A_415 : memref<1000000x32xf32, #tpu.memory_space<hbm>>) dst(%dma_wait3A_409 : memref<128x32xf32, #tpu.memory_space<vmem>>)
      %dma_wait3A_416 = arith.constant 2 : i32
      %dma_wait3A_417 = arith.constant 256 : i32
      %dma_wait3A_418 = arith.constant 0 : i32
      %dma_wait3A_419 = tpu.memref_slice %arg10[%dma_wait3A_417, %dma_wait3A_418] : memref<1280x32xf32, #tpu.memory_space<vmem>> -> memref<128x32xf32, #tpu.memory_space<vmem>>
      %dma_wait3A_420 = arith.constant 0 : i32
      %dma_wait3A_421 = tpu.memref_slice %arg8[%dma_wait3A_416, %dma_wait3A_420] : memref<5x128xi32, #tpu.memory_space<vmem>> -> memref<1x128xi32, #tpu.memory_space<vmem>>
      %dma_wait3A_422 = tpu.memref_squeeze %dma_wait3A_421 : memref<1x128xi32, #tpu.memory_space<vmem>> -> memref<128xi32, #tpu.memory_space<vmem>>
      %dma_wait3A_423 = arith.constant 0 : i32
      %dma_wait3A_424 = arith.constant 0 : i32
      %dma_wait3A_425 = tpu.memref_slice %arg3[%dma_wait3A_423, %dma_wait3A_424] : memref<1000000x32xf32, #tpu.memory_space<hbm>> -> memref<1000000x32xf32, #tpu.memory_space<hbm>>
      tpu.wait_indirect_dma semaphore(%arg13 : memref<!tpu.dma_semaphore, #tpu.memory_space<semaphore_mem>>) src(%dma_wait3A_425 : memref<1000000x32xf32, #tpu.memory_space<hbm>>) dst(%dma_wait3A_419 : memref<128x32xf32, #tpu.memory_space<vmem>>)
      %dma_wait3A_426 = arith.constant 3 : i32
      %dma_wait3A_427 = arith.constant 384 : i32
      %dma_wait3A_428 = arith.constant 0 : i32
      %dma_wait3A_429 = tpu.memref_slice %arg10[%dma_wait3A_427, %dma_wait3A_428] : memref<1280x32xf32, #tpu.memory_space<vmem>> -> memref<128x32xf32, #tpu.memory_space<vmem>>
      %dma_wait3A_430 = arith.constant 0 : i32
      %dma_wait3A_431 = tpu.memref_slice %arg8[%dma_wait3A_426, %dma_wait3A_430] : memref<5x128xi32, #tpu.memory_space<vmem>> -> memref<1x128xi32, #tpu.memory_space<vmem>>
      %dma_wait3A_432 = tpu.memref_squeeze %dma_wait3A_431 : memref<1x128xi32, #tpu.memory_space<vmem>> -> memref<128xi32, #tpu.memory_space<vmem>>
      %dma_wait3A_433 = arith.constant 0 : i32
      %dma_wait3A_434 = arith.constant 0 : i32
      %dma_wait3A_435 = tpu.memref_slice %arg3[%dma_wait3A_433, %dma_wait3A_434] : memref<1000000x32xf32, #tpu.memory_space<hbm>> -> memref<1000000x32xf32, #tpu.memory_space<hbm>>
      tpu.wait_indirect_dma semaphore(%arg13 : memref<!tpu.dma_semaphore, #tpu.memory_space<semaphore_mem>>) src(%dma_wait3A_435 : memref<1000000x32xf32, #tpu.memory_space<hbm>>) dst(%dma_wait3A_429 : memref<128x32xf32, #tpu.memory_space<vmem>>)
      %dma_wait3A_436 = arith.constant 4 : i32
      %dma_wait3A_437 = arith.constant 512 : i32
      %dma_wait3A_438 = arith.constant 0 : i32
      %dma_wait3A_439 = tpu.memref_slice %arg10[%dma_wait3A_437, %dma_wait3A_438] : memref<1280x32xf32, #tpu.memory_space<vmem>> -> memref<128x32xf32, #tpu.memory_space<vmem>>
      %dma_wait3A_440 = arith.constant 0 : i32
      %dma_wait3A_441 = tpu.memref_slice %arg8[%dma_wait3A_436, %dma_wait3A_440] : memref<5x128xi32, #tpu.memory_space<vmem>> -> memref<1x128xi32, #tpu.memory_space<vmem>>
      %dma_wait3A_442 = tpu.memref_squeeze %dma_wait3A_441 : memref<1x128xi32, #tpu.memory_space<vmem>> -> memref<128xi32, #tpu.memory_space<vmem>>
      %dma_wait3A_443 = arith.constant 0 : i32
      %dma_wait3A_444 = arith.constant 0 : i32
      %dma_wait3A_445 = tpu.memref_slice %arg3[%dma_wait3A_443, %dma_wait3A_444] : memref<1000000x32xf32, #tpu.memory_space<hbm>> -> memref<1000000x32xf32, #tpu.memory_space<hbm>>
      tpu.wait_indirect_dma semaphore(%arg13 : memref<!tpu.dma_semaphore, #tpu.memory_space<semaphore_mem>>) src(%dma_wait3A_445 : memref<1000000x32xf32, #tpu.memory_space<hbm>>) dst(%dma_wait3A_439 : memref<128x32xf32, #tpu.memory_space<vmem>>)
      %scan3A_446 = arith.constant 0 : i32
      %scan3A_447 = arith.constant 0 : i32
      %scan3A_448 = arith.constant 128 : i32
      %scan3A_449 = arith.addi %scan3A_447, %scan3A_448 : i32
      %scan3A_450 = arith.constant 1 : i32
      scf.for %scan3A_532 = %scan3A_447 to %scan3A_449 step %scan3A_450  : i32 {
        %mul3A_533 = arith.constant 0 : i32
        %mul3A_534 = vector.broadcast %mul3A_533 : i32 to vector<16xi32>
        %mul3A_535 = arith.muli %iota3A, %mul3A_534 : vector<16xi32>
        %add3A_536 = vector.broadcast %scan3A_532 : i32 to vector<16xi32>
        %add3A_537 = arith.addi %mul3A_535, %add3A_536 : vector<16xi32>
        %broadcast_in_dim3A = arith.constant 0 : i32
        %broadcast_in_dim3A_538 = vector.broadcast %broadcast_in_dim3A : i32 to vector<16xi32>
        %add3A_539 = arith.constant 0 : i32
        %add3A_540 = arith.addi %add3A_539, %scan3A_532 : i32
        %get3A = arith.index_cast %add3A_540 : i32 to index
        %get3A_541 = arith.constant 0 : index
        %get3A_542 = tpu.vector_load %arg10[%get3A, %get3A_541] {strides = array<i32>} : memref<1280x32xf32, #tpu.memory_space<vmem>>, vector<16xf32>,
        %add3A_543 = arith.constant 0 : i32
        %add3A_544 = vector.broadcast %add3A_543 : i32 to vector<16xi32>
        %add3A_545 = arith.addi %add3A_544, %iota3A : vector<16xi32>
        tpu.vector_store_idx %arg11[%broadcast_in_dim3A_538, %add3A_545, %add3A_537], %get3A_542 : memref<5x32x129xf32, #tpu.memory_space<vmem>>[vector<16xi32>, vector<16xi32>, vector<16xi32>], vector<16xf32>,
        %add3A_546 = arith.constant 0 : i32
        %add3A_547 = arith.addi %add3A_546, %scan3A_532 : i32
        %get3A_548 = arith.index_cast %add3A_547 : i32 to index
        %get3A_549 = arith.constant 16 : index
        %get3A_550 = tpu.vector_load %arg10[%get3A_548, %get3A_549] {strides = array<i32>} : memref<1280x32xf32, #tpu.memory_space<vmem>>, vector<16xf32>,
        %add3A_551 = arith.constant 16 : i32
        %add3A_552 = vector.broadcast %add3A_551 : i32 to vector<16xi32>
        %add3A_553 = arith.addi %add3A_552, %iota3A : vector<16xi32>
        tpu.vector_store_idx %arg11[%broadcast_in_dim3A_538, %add3A_553, %add3A_537], %get3A_550 : memref<5x32x129xf32, #tpu.memory_space<vmem>>[vector<16xi32>, vector<16xi32>, vector<16xi32>], vector<16xf32>,
        %broadcast_in_dim3A_554 = arith.constant 1 : i32
        %broadcast_in_dim3A_555 = vector.broadcast %broadcast_in_dim3A_554 : i32 to vector<16xi32>
        %add3A_556 = arith.constant 128 : i32
        %add3A_557 = arith.addi %add3A_556, %scan3A_532 : i32
        %get3A_558 = arith.index_cast %add3A_557 : i32 to index
        %get3A_559 = arith.constant 0 : index
        %get3A_560 = tpu.vector_load %arg10[%get3A_558, %get3A_559] {strides = array<i32>} : memref<1280x32xf32, #tpu.memory_space<vmem>>, vector<16xf32>,
        %add3A_561 = arith.constant 0 : i32
        %add3A_562 = vector.broadcast %add3A_561 : i32 to vector<16xi32>
        %add3A_563 = arith.addi %add3A_562, %iota3A : vector<16xi32>
        tpu.vector_store_idx %arg11[%broadcast_in_dim3A_555, %add3A_563, %add3A_537], %get3A_560 : memref<5x32x129xf32, #tpu.memory_space<vmem>>[vector<16xi32>, vector<16xi32>, vector<16xi32>], vector<16xf32>,
        %add3A_564 = arith.constant 128 : i32
        %add3A_565 = arith.addi %add3A_564, %scan3A_532 : i32
        %get3A_566 = arith.index_cast %add3A_565 : i32 to index
        %get3A_567 = arith.constant 16 : index
        %get3A_568 = tpu.vector_load %arg10[%get3A_566, %get3A_567] {strides = array<i32>} : memref<1280x32xf32, #tpu.memory_space<vmem>>, vector<16xf32>,
        %add3A_569 = arith.constant 16 : i32
        %add3A_570 = vector.broadcast %add3A_569 : i32 to vector<16xi32>
        %add3A_571 = arith.addi %add3A_570, %iota3A : vector<16xi32>
        tpu.vector_store_idx %arg11[%broadcast_in_dim3A_555, %add3A_571, %add3A_537], %get3A_568 : memref<5x32x129xf32, #tpu.memory_space<vmem>>[vector<16xi32>, vector<16xi32>, vector<16xi32>], vector<16xf32>,
        %broadcast_in_dim3A_572 = arith.constant 2 : i32
        %broadcast_in_dim3A_573 = vector.broadcast %broadcast_in_dim3A_572 : i32 to vector<16xi32>
        %add3A_574 = arith.constant 256 : i32
        %add3A_575 = arith.addi %add3A_574, %scan3A_532 : i32
        %get3A_576 = arith.index_cast %add3A_575 : i32 to index
        %get3A_577 = arith.constant 0 : index
        %get3A_578 = tpu.vector_load %arg10[%get3A_576, %get3A_577] {strides = array<i32>} : memref<1280x32xf32, #tpu.memory_space<vmem>>, vector<16xf32>,
        %add3A_579 = arith.constant 0 : i32
        %add3A_580 = vector.broadcast %add3A_579 : i32 to vector<16xi32>
        %add3A_581 = arith.addi %add3A_580, %iota3A : vector<16xi32>
        tpu.vector_store_idx %arg11[%broadcast_in_dim3A_573, %add3A_581, %add3A_537], %get3A_578 : memref<5x32x129xf32, #tpu.memory_space<vmem>>[vector<16xi32>, vector<16xi32>, vector<16xi32>], vector<16xf32>,
        %add3A_582 = arith.constant 256 : i32
        %add3A_583 = arith.addi %add3A_582, %scan3A_532 : i32
        %get3A_584 = arith.index_cast %add3A_583 : i32 to index
        %get3A_585 = arith.constant 16 : index
        %get3A_586 = tpu.vector_load %arg10[%get3A_584, %get3A_585] {strides = array<i32>} : memref<1280x32xf32, #tpu.memory_space<vmem>>, vector<16xf32>,
        %add3A_587 = arith.constant 16 : i32
        %add3A_588 = vector.broadcast %add3A_587 : i32 to vector<16xi32>
        %add3A_589 = arith.addi %add3A_588, %iota3A : vector<16xi32>
        tpu.vector_store_idx %arg11[%broadcast_in_dim3A_573, %add3A_589, %add3A_537], %get3A_586 : memref<5x32x129xf32, #tpu.memory_space<vmem>>[vector<16xi32>, vector<16xi32>, vector<16xi32>], vector<16xf32>,
        %broadcast_in_dim3A_590 = arith.constant 3 : i32
        %broadcast_in_dim3A_591 = vector.broadcast %broadcast_in_dim3A_590 : i32 to vector<16xi32>
        %add3A_592 = arith.constant 384 : i32
        %add3A_593 = arith.addi %add3A_592, %scan3A_532 : i32
        %get3A_594 = arith.index_cast %add3A_593 : i32 to index
        %get3A_595 = arith.constant 0 : index
        %get3A_596 = tpu.vector_load %arg10[%get3A_594, %get3A_595] {strides = array<i32>} : memref<1280x32xf32, #tpu.memory_space<vmem>>, vector<16xf32>,
        %add3A_597 = arith.constant 0 : i32
        %add3A_598 = vector.broadcast %add3A_597 : i32 to vector<16xi32>
        %add3A_599 = arith.addi %add3A_598, %iota3A : vector<16xi32>
        tpu.vector_store_idx %arg11[%broadcast_in_dim3A_591, %add3A_599, %add3A_537], %get3A_596 : memref<5x32x129xf32, #tpu.memory_space<vmem>>[vector<16xi32>, vector<16xi32>, vector<16xi32>], vector<16xf32>,
        %add3A_600 = arith.constant 384 : i32
        %add3A_601 = arith.addi %add3A_600, %scan3A_532 : i32
        %get3A_602 = arith.index_cast %add3A_601 : i32 to index
        %get3A_603 = arith.constant 16 : index
        %get3A_604 = tpu.vector_load %arg10[%get3A_602, %get3A_603] {strides = array<i32>} : memref<1280x32xf32, #tpu.memory_space<vmem>>, vector<16xf32>,
        %add3A_605 = arith.constant 16 : i32
        %add3A_606 = vector.broadcast %add3A_605 : i32 to vector<16xi32>
        %add3A_607 = arith.addi %add3A_606, %iota3A : vector<16xi32>
        tpu.vector_store_idx %arg11[%broadcast_in_dim3A_591, %add3A_607, %add3A_537], %get3A_604 : memref<5x32x129xf32, #tpu.memory_space<vmem>>[vector<16xi32>, vector<16xi32>, vector<16xi32>], vector<16xf32>,
        %broadcast_in_dim3A_608 = arith.constant 4 : i32
        %broadcast_in_dim3A_609 = vector.broadcast %broadcast_in_dim3A_608 : i32 to vector<16xi32>
        %add3A_610 = arith.constant 512 : i32
        %add3A_611 = arith.addi %add3A_610, %scan3A_532 : i32
        %get3A_612 = arith.index_cast %add3A_611 : i32 to index
        %get3A_613 = arith.constant 0 : index
        %get3A_614 = tpu.vector_load %arg10[%get3A_612, %get3A_613] {strides = array<i32>} : memref<1280x32xf32, #tpu.memory_space<vmem>>, vector<16xf32>,
        %add3A_615 = arith.constant 0 : i32
        %add3A_616 = vector.broadcast %add3A_615 : i32 to vector<16xi32>
        %add3A_617 = arith.addi %add3A_616, %iota3A : vector<16xi32>
        tpu.vector_store_idx %arg11[%broadcast_in_dim3A_609, %add3A_617, %add3A_537], %get3A_614 : memref<5x32x129xf32, #tpu.memory_space<vmem>>[vector<16xi32>, vector<16xi32>, vector<16xi32>], vector<16xf32>,
        %add3A_618 = arith.constant 512 : i32
        %add3A_619 = arith.addi %add3A_618, %scan3A_532 : i32
        %get3A_620 = arith.index_cast %add3A_619 : i32 to index
        %get3A_621 = arith.constant 16 : index
        %get3A_622 = tpu.vector_load %arg10[%get3A_620, %get3A_621] {strides = array<i32>} : memref<1280x32xf32, #tpu.memory_space<vmem>>, vector<16xf32>,
        %add3A_623 = arith.constant 16 : i32
        %add3A_624 = vector.broadcast %add3A_623 : i32 to vector<16xi32>
        %add3A_625 = arith.addi %add3A_624, %iota3A : vector<16xi32>
        tpu.vector_store_idx %arg11[%broadcast_in_dim3A_609, %add3A_625, %add3A_537], %get3A_622 : memref<5x32x129xf32, #tpu.memory_space<vmem>>[vector<16xi32>, vector<16xi32>, vector<16xi32>], vector<16xf32>,
      }
      %scan3A_451 = arith.constant 128 : i32
      %dma_start3A_452 = arith.constant 0 : i32
      %dma_start3A_453 = arith.constant 0 : i32
      %dma_start3A_454 = arith.constant 0 : i32
      %dma_start3A_455 = tpu.memref_slice %arg11[%dma_start3A_452, %dma_start3A_453, %dma_start3A_454] : memref<5x32x129xf32, #tpu.memory_space<vmem>> -> memref<5x32x128xf32, #tpu.memory_space<vmem>>
      %dma_start3A_456 = arith.constant 0 : i32
      %dma_start3A_457 = tpu.memref_slice %arg5[%mul3A_390, %dma_start3A_456, %mul3A_2] : memref<200x32x4096xf32, #tpu.memory_space<hbm>> -> memref<5x32x128xf32, #tpu.memory_space<hbm>>
      %dma_start3A_458 = arith.constant 0 : i32
      %dma_start3A_459 = tpu.memref_slice %arg5[%mul3A_390, %dma_start3A_458, %mul3A_2] : memref<200x32x4096xf32, #tpu.memory_space<hbm>> -> memref<5x32x128xf32, #tpu.memory_space<hbm>>
      %dma_start3A_460 = arith.constant 0 : i32
      %dma_start3A_461 = arith.constant 0 : i32
      %dma_start3A_462 = arith.constant 0 : i32
      %dma_start3A_463 = tpu.memref_slice %arg11[%dma_start3A_460, %dma_start3A_461, %dma_start3A_462] : memref<5x32x129xf32, #tpu.memory_space<vmem>> -> memref<5x32x128xf32, #tpu.memory_space<vmem>>
      tpu.enqueue_dma source(%dma_start3A_463 : memref<5x32x128xf32, #tpu.memory_space<vmem>>) target(%dma_start3A_459 : memref<5x32x128xf32, #tpu.memory_space<hbm>>) target_semaphore(%arg15 : memref<!tpu.dma_semaphore, #tpu.memory_space<semaphore_mem>>)
      %dma_wait3A_464 = arith.constant 0 : i32
      %dma_wait3A_465 = arith.constant 640 : i32
      %dma_wait3A_466 = arith.constant 0 : i32
      %dma_wait3A_467 = tpu.memref_slice %arg10[%dma_wait3A_465, %dma_wait3A_466] : memref<1280x32xf32, #tpu.memory_space<vmem>> -> memref<128x32xf32, #tpu.memory_space<vmem>>
      %dma_wait3A_468 = arith.constant 0 : i32
      %dma_wait3A_469 = tpu.memref_slice %arg8[%dma_wait3A_464, %dma_wait3A_468] : memref<5x128xi32, #tpu.memory_space<vmem>> -> memref<1x128xi32, #tpu.memory_space<vmem>>
      %dma_wait3A_470 = tpu.memref_squeeze %dma_wait3A_469 : memref<1x128xi32, #tpu.memory_space<vmem>> -> memref<128xi32, #tpu.memory_space<vmem>>
      %dma_wait3A_471 = arith.constant 0 : i32
      %dma_wait3A_472 = arith.constant 0 : i32
      %dma_wait3A_473 = tpu.memref_slice %arg4[%dma_wait3A_471, %dma_wait3A_472] : memref<1000000x32xf32, #tpu.memory_space<hbm>> -> memref<1000000x32xf32, #tpu.memory_space<hbm>>
      tpu.wait_indirect_dma semaphore(%arg14 : memref<!tpu.dma_semaphore, #tpu.memory_space<semaphore_mem>>) src(%dma_wait3A_473 : memref<1000000x32xf32, #tpu.memory_space<hbm>>) dst(%dma_wait3A_467 : memref<128x32xf32, #tpu.memory_space<vmem>>)
      %dma_wait3A_474 = arith.constant 1 : i32
      %dma_wait3A_475 = arith.constant 768 : i32
      %dma_wait3A_476 = arith.constant 0 : i32
      %dma_wait3A_477 = tpu.memref_slice %arg10[%dma_wait3A_475, %dma_wait3A_476] : memref<1280x32xf32, #tpu.memory_space<vmem>> -> memref<128x32xf32, #tpu.memory_space<vmem>>
      %dma_wait3A_478 = arith.constant 0 : i32
      %dma_wait3A_479 = tpu.memref_slice %arg8[%dma_wait3A_474, %dma_wait3A_478] : memref<5x128xi32, #tpu.memory_space<vmem>> -> memref<1x128xi32, #tpu.memory_space<vmem>>
      %dma_wait3A_480 = tpu.memref_squeeze %dma_wait3A_479 : memref<1x128xi32, #tpu.memory_space<vmem>> -> memref<128xi32, #tpu.memory_space<vmem>>
      %dma_wait3A_481 = arith.constant 0 : i32
      %dma_wait3A_482 = arith.constant 0 : i32
      %dma_wait3A_483 = tpu.memref_slice %arg4[%dma_wait3A_481, %dma_wait3A_482] : memref<1000000x32xf32, #tpu.memory_space<hbm>> -> memref<1000000x32xf32, #tpu.memory_space<hbm>>
      tpu.wait_indirect_dma semaphore(%arg14 : memref<!tpu.dma_semaphore, #tpu.memory_space<semaphore_mem>>) src(%dma_wait3A_483 : memref<1000000x32xf32, #tpu.memory_space<hbm>>) dst(%dma_wait3A_477 : memref<128x32xf32, #tpu.memory_space<vmem>>)
      %dma_wait3A_484 = arith.constant 2 : i32
      %dma_wait3A_485 = arith.constant 896 : i32
      %dma_wait3A_486 = arith.constant 0 : i32
      %dma_wait3A_487 = tpu.memref_slice %arg10[%dma_wait3A_485, %dma_wait3A_486] : memref<1280x32xf32, #tpu.memory_space<vmem>> -> memref<128x32xf32, #tpu.memory_space<vmem>>
      %dma_wait3A_488 = arith.constant 0 : i32
      %dma_wait3A_489 = tpu.memref_slice %arg8[%dma_wait3A_484, %dma_wait3A_488] : memref<5x128xi32, #tpu.memory_space<vmem>> -> memref<1x128xi32, #tpu.memory_space<vmem>>
      %dma_wait3A_490 = tpu.memref_squeeze %dma_wait3A_489 : memref<1x128xi32, #tpu.memory_space<vmem>> -> memref<128xi32, #tpu.memory_space<vmem>>
      %dma_wait3A_491 = arith.constant 0 : i32
      %dma_wait3A_492 = arith.constant 0 : i32
      %dma_wait3A_493 = tpu.memref_slice %arg4[%dma_wait3A_491, %dma_wait3A_492] : memref<1000000x32xf32, #tpu.memory_space<hbm>> -> memref<1000000x32xf32, #tpu.memory_space<hbm>>
      tpu.wait_indirect_dma semaphore(%arg14 : memref<!tpu.dma_semaphore, #tpu.memory_space<semaphore_mem>>) src(%dma_wait3A_493 : memref<1000000x32xf32, #tpu.memory_space<hbm>>) dst(%dma_wait3A_487 : memref<128x32xf32, #tpu.memory_space<vmem>>)
      %dma_wait3A_494 = arith.constant 3 : i32
      %dma_wait3A_495 = arith.constant 1024 : i32
      %dma_wait3A_496 = arith.constant 0 : i32
      %dma_wait3A_497 = tpu.memref_slice %arg10[%dma_wait3A_495, %dma_wait3A_496] : memref<1280x32xf32, #tpu.memory_space<vmem>> -> memref<128x32xf32, #tpu.memory_space<vmem>>
      %dma_wait3A_498 = arith.constant 0 : i32
      %dma_wait3A_499 = tpu.memref_slice %arg8[%dma_wait3A_494, %dma_wait3A_498] : memref<5x128xi32, #tpu.memory_space<vmem>> -> memref<1x128xi32, #tpu.memory_space<vmem>>
      %dma_wait3A_500 = tpu.memref_squeeze %dma_wait3A_499 : memref<1x128xi32, #tpu.memory_space<vmem>> -> memref<128xi32, #tpu.memory_space<vmem>>
      %dma_wait3A_501 = arith.constant 0 : i32
      %dma_wait3A_502 = arith.constant 0 : i32
      %dma_wait3A_503 = tpu.memref_slice %arg4[%dma_wait3A_501, %dma_wait3A_502] : memref<1000000x32xf32, #tpu.memory_space<hbm>> -> memref<1000000x32xf32, #tpu.memory_space<hbm>>
      tpu.wait_indirect_dma semaphore(%arg14 : memref<!tpu.dma_semaphore, #tpu.memory_space<semaphore_mem>>) src(%dma_wait3A_503 : memref<1000000x32xf32, #tpu.memory_space<hbm>>) dst(%dma_wait3A_497 : memref<128x32xf32, #tpu.memory_space<vmem>>)
      %dma_wait3A_504 = arith.constant 4 : i32
      %dma_wait3A_505 = arith.constant 1152 : i32
      %dma_wait3A_506 = arith.constant 0 : i32
      %dma_wait3A_507 = tpu.memref_slice %arg10[%dma_wait3A_505, %dma_wait3A_506] : memref<1280x32xf32, #tpu.memory_space<vmem>> -> memref<128x32xf32, #tpu.memory_space<vmem>>
      %dma_wait3A_508 = arith.constant 0 : i32
      %dma_wait3A_509 = tpu.memref_slice %arg8[%dma_wait3A_504, %dma_wait3A_508] : memref<5x128xi32, #tpu.memory_space<vmem>> -> memref<1x128xi32, #tpu.memory_space<vmem>>
      %dma_wait3A_510 = tpu.memref_squeeze %dma_wait3A_509 : memref<1x128xi32, #tpu.memory_space<vmem>> -> memref<128xi32, #tpu.memory_space<vmem>>
      %dma_wait3A_511 = arith.constant 0 : i32
      %dma_wait3A_512 = arith.constant 0 : i32
      %dma_wait3A_513 = tpu.memref_slice %arg4[%dma_wait3A_511, %dma_wait3A_512] : memref<1000000x32xf32, #tpu.memory_space<hbm>> -> memref<1000000x32xf32, #tpu.memory_space<hbm>>
      tpu.wait_indirect_dma semaphore(%arg14 : memref<!tpu.dma_semaphore, #tpu.memory_space<semaphore_mem>>) src(%dma_wait3A_513 : memref<1000000x32xf32, #tpu.memory_space<hbm>>) dst(%dma_wait3A_507 : memref<128x32xf32, #tpu.memory_space<vmem>>)
      %scan3A_514 = arith.constant 0 : i32
      %scan3A_515 = arith.constant 0 : i32
      %scan3A_516 = arith.constant 128 : i32
      %scan3A_517 = arith.addi %scan3A_515, %scan3A_516 : i32
      %scan3A_518 = arith.constant 1 : i32
      scf.for %scan3A_532 = %scan3A_515 to %scan3A_517 step %scan3A_518  : i32 {
        %mul3A_533 = arith.constant 0 : i32
        %mul3A_534 = vector.broadcast %mul3A_533 : i32 to vector<16xi32>
        %mul3A_535 = arith.muli %iota3A, %mul3A_534 : vector<16xi32>
        %add3A_536 = vector.broadcast %scan3A_532 : i32 to vector<16xi32>
        %add3A_537 = arith.addi %mul3A_535, %add3A_536 : vector<16xi32>
        %broadcast_in_dim3A = arith.constant 0 : i32
        %broadcast_in_dim3A_538 = vector.broadcast %broadcast_in_dim3A : i32 to vector<16xi32>
        %add3A_539 = arith.constant 640 : i32
        %add3A_540 = arith.addi %add3A_539, %scan3A_532 : i32
        %get3A = arith.index_cast %add3A_540 : i32 to index
        %get3A_541 = arith.constant 0 : index
        %get3A_542 = tpu.vector_load %arg10[%get3A, %get3A_541] {strides = array<i32>} : memref<1280x32xf32, #tpu.memory_space<vmem>>, vector<16xf32>,
        %add3A_543 = arith.constant 0 : i32
        %add3A_544 = vector.broadcast %add3A_543 : i32 to vector<16xi32>
        %add3A_545 = arith.addi %add3A_544, %iota3A : vector<16xi32>
        tpu.vector_store_idx %arg12[%broadcast_in_dim3A_538, %add3A_545, %add3A_537], %get3A_542 : memref<5x32x129xf32, #tpu.memory_space<vmem>>[vector<16xi32>, vector<16xi32>, vector<16xi32>], vector<16xf32>,
        %add3A_546 = arith.constant 640 : i32
        %add3A_547 = arith.addi %add3A_546, %scan3A_532 : i32
        %get3A_548 = arith.index_cast %add3A_547 : i32 to index
        %get3A_549 = arith.constant 16 : index
        %get3A_550 = tpu.vector_load %arg10[%get3A_548, %get3A_549] {strides = array<i32>} : memref<1280x32xf32, #tpu.memory_space<vmem>>, vector<16xf32>,
        %add3A_551 = arith.constant 16 : i32
        %add3A_552 = vector.broadcast %add3A_551 : i32 to vector<16xi32>
        %add3A_553 = arith.addi %add3A_552, %iota3A : vector<16xi32>
        tpu.vector_store_idx %arg12[%broadcast_in_dim3A_538, %add3A_553, %add3A_537], %get3A_550 : memref<5x32x129xf32, #tpu.memory_space<vmem>>[vector<16xi32>, vector<16xi32>, vector<16xi32>], vector<16xf32>,
        %broadcast_in_dim3A_554 = arith.constant 1 : i32
        %broadcast_in_dim3A_555 = vector.broadcast %broadcast_in_dim3A_554 : i32 to vector<16xi32>
        %add3A_556 = arith.constant 768 : i32
        %add3A_557 = arith.addi %add3A_556, %scan3A_532 : i32
        %get3A_558 = arith.index_cast %add3A_557 : i32 to index
        %get3A_559 = arith.constant 0 : index
        %get3A_560 = tpu.vector_load %arg10[%get3A_558, %get3A_559] {strides = array<i32>} : memref<1280x32xf32, #tpu.memory_space<vmem>>, vector<16xf32>,
        %add3A_561 = arith.constant 0 : i32
        %add3A_562 = vector.broadcast %add3A_561 : i32 to vector<16xi32>
        %add3A_563 = arith.addi %add3A_562, %iota3A : vector<16xi32>
        tpu.vector_store_idx %arg12[%broadcast_in_dim3A_555, %add3A_563, %add3A_537], %get3A_560 : memref<5x32x129xf32, #tpu.memory_space<vmem>>[vector<16xi32>, vector<16xi32>, vector<16xi32>], vector<16xf32>,
        %add3A_564 = arith.constant 768 : i32
        %add3A_565 = arith.addi %add3A_564, %scan3A_532 : i32
        %get3A_566 = arith.index_cast %add3A_565 : i32 to index
        %get3A_567 = arith.constant 16 : index
        %get3A_568 = tpu.vector_load %arg10[%get3A_566, %get3A_567] {strides = array<i32>} : memref<1280x32xf32, #tpu.memory_space<vmem>>, vector<16xf32>,
        %add3A_569 = arith.constant 16 : i32
        %add3A_570 = vector.broadcast %add3A_569 : i32 to vector<16xi32>
        %add3A_571 = arith.addi %add3A_570, %iota3A : vector<16xi32>
        tpu.vector_store_idx %arg12[%broadcast_in_dim3A_555, %add3A_571, %add3A_537], %get3A_568 : memref<5x32x129xf32, #tpu.memory_space<vmem>>[vector<16xi32>, vector<16xi32>, vector<16xi32>], vector<16xf32>,
        %broadcast_in_dim3A_572 = arith.constant 2 : i32
        %broadcast_in_dim3A_573 = vector.broadcast %broadcast_in_dim3A_572 : i32 to vector<16xi32>
        %add3A_574 = arith.constant 896 : i32
        %add3A_575 = arith.addi %add3A_574, %scan3A_532 : i32
        %get3A_576 = arith.index_cast %add3A_575 : i32 to index
        %get3A_577 = arith.constant 0 : index
        %get3A_578 = tpu.vector_load %arg10[%get3A_576, %get3A_577] {strides = array<i32>} : memref<1280x32xf32, #tpu.memory_space<vmem>>, vector<16xf32>,
        %add3A_579 = arith.constant 0 : i32
        %add3A_580 = vector.broadcast %add3A_579 : i32 to vector<16xi32>
        %add3A_581 = arith.addi %add3A_580, %iota3A : vector<16xi32>
        tpu.vector_store_idx %arg12[%broadcast_in_dim3A_573, %add3A_581, %add3A_537], %get3A_578 : memref<5x32x129xf32, #tpu.memory_space<vmem>>[vector<16xi32>, vector<16xi32>, vector<16xi32>], vector<16xf32>,
        %add3A_582 = arith.constant 896 : i32
        %add3A_583 = arith.addi %add3A_582, %scan3A_532 : i32
        %get3A_584 = arith.index_cast %add3A_583 : i32 to index
        %get3A_585 = arith.constant 16 : index
        %get3A_586 = tpu.vector_load %arg10[%get3A_584, %get3A_585] {strides = array<i32>} : memref<1280x32xf32, #tpu.memory_space<vmem>>, vector<16xf32>,
        %add3A_587 = arith.constant 16 : i32
        %add3A_588 = vector.broadcast %add3A_587 : i32 to vector<16xi32>
        %add3A_589 = arith.addi %add3A_588, %iota3A : vector<16xi32>
        tpu.vector_store_idx %arg12[%broadcast_in_dim3A_573, %add3A_589, %add3A_537], %get3A_586 : memref<5x32x129xf32, #tpu.memory_space<vmem>>[vector<16xi32>, vector<16xi32>, vector<16xi32>], vector<16xf32>,
        %broadcast_in_dim3A_590 = arith.constant 3 : i32
        %broadcast_in_dim3A_591 = vector.broadcast %broadcast_in_dim3A_590 : i32 to vector<16xi32>
        %add3A_592 = arith.constant 1024 : i32
        %add3A_593 = arith.addi %add3A_592, %scan3A_532 : i32
        %get3A_594 = arith.index_cast %add3A_593 : i32 to index
        %get3A_595 = arith.constant 0 : index
        %get3A_596 = tpu.vector_load %arg10[%get3A_594, %get3A_595] {strides = array<i32>} : memref<1280x32xf32, #tpu.memory_space<vmem>>, vector<16xf32>,
        %add3A_597 = arith.constant 0 : i32
        %add3A_598 = vector.broadcast %add3A_597 : i32 to vector<16xi32>
        %add3A_599 = arith.addi %add3A_598, %iota3A : vector<16xi32>
        tpu.vector_store_idx %arg12[%broadcast_in_dim3A_591, %add3A_599, %add3A_537], %get3A_596 : memref<5x32x129xf32, #tpu.memory_space<vmem>>[vector<16xi32>, vector<16xi32>, vector<16xi32>], vector<16xf32>,
        %add3A_600 = arith.constant 1024 : i32
        %add3A_601 = arith.addi %add3A_600, %scan3A_532 : i32
        %get3A_602 = arith.index_cast %add3A_601 : i32 to index
        %get3A_603 = arith.constant 16 : index
        %get3A_604 = tpu.vector_load %arg10[%get3A_602, %get3A_603] {strides = array<i32>} : memref<1280x32xf32, #tpu.memory_space<vmem>>, vector<16xf32>,
        %add3A_605 = arith.constant 16 : i32
        %add3A_606 = vector.broadcast %add3A_605 : i32 to vector<16xi32>
        %add3A_607 = arith.addi %add3A_606, %iota3A : vector<16xi32>
        tpu.vector_store_idx %arg12[%broadcast_in_dim3A_591, %add3A_607, %add3A_537], %get3A_604 : memref<5x32x129xf32, #tpu.memory_space<vmem>>[vector<16xi32>, vector<16xi32>, vector<16xi32>], vector<16xf32>,
        %broadcast_in_dim3A_608 = arith.constant 4 : i32
        %broadcast_in_dim3A_609 = vector.broadcast %broadcast_in_dim3A_608 : i32 to vector<16xi32>
        %add3A_610 = arith.constant 1152 : i32
        %add3A_611 = arith.addi %add3A_610, %scan3A_532 : i32
        %get3A_612 = arith.index_cast %add3A_611 : i32 to index
        %get3A_613 = arith.constant 0 : index
        %get3A_614 = tpu.vector_load %arg10[%get3A_612, %get3A_613] {strides = array<i32>} : memref<1280x32xf32, #tpu.memory_space<vmem>>, vector<16xf32>,
        %add3A_615 = arith.constant 0 : i32
        %add3A_616 = vector.broadcast %add3A_615 : i32 to vector<16xi32>
        %add3A_617 = arith.addi %add3A_616, %iota3A : vector<16xi32>
        tpu.vector_store_idx %arg12[%broadcast_in_dim3A_609, %add3A_617, %add3A_537], %get3A_614 : memref<5x32x129xf32, #tpu.memory_space<vmem>>[vector<16xi32>, vector<16xi32>, vector<16xi32>], vector<16xf32>,
        %add3A_618 = arith.constant 1152 : i32
        %add3A_619 = arith.addi %add3A_618, %scan3A_532 : i32
        %get3A_620 = arith.index_cast %add3A_619 : i32 to index
        %get3A_621 = arith.constant 16 : index
        %get3A_622 = tpu.vector_load %arg10[%get3A_620, %get3A_621] {strides = array<i32>} : memref<1280x32xf32, #tpu.memory_space<vmem>>, vector<16xf32>,
        %add3A_623 = arith.constant 16 : i32
        %add3A_624 = vector.broadcast %add3A_623 : i32 to vector<16xi32>
        %add3A_625 = arith.addi %add3A_624, %iota3A : vector<16xi32>
        tpu.vector_store_idx %arg12[%broadcast_in_dim3A_609, %add3A_625, %add3A_537], %get3A_622 : memref<5x32x129xf32, #tpu.memory_space<vmem>>[vector<16xi32>, vector<16xi32>, vector<16xi32>], vector<16xf32>,
      }
      %scan3A_519 = arith.constant 128 : i32
      %dma_start3A_520 = arith.constant 0 : i32
      %dma_start3A_521 = arith.constant 0 : i32
      %dma_start3A_522 = arith.constant 0 : i32
      %dma_start3A_523 = tpu.memref_slice %arg12[%dma_start3A_520, %dma_start3A_521, %dma_start3A_522] : memref<5x32x129xf32, #tpu.memory_space<vmem>> -> memref<5x32x128xf32, #tpu.memory_space<vmem>>
      %dma_start3A_524 = arith.constant 0 : i32
      %dma_start3A_525 = tpu.memref_slice %arg6[%mul3A_390, %dma_start3A_524, %mul3A_2] : memref<200x32x4096xf32, #tpu.memory_space<hbm>> -> memref<5x32x128xf32, #tpu.memory_space<hbm>>
      %dma_start3A_526 = arith.constant 0 : i32
      %dma_start3A_527 = tpu.memref_slice %arg6[%mul3A_390, %dma_start3A_526, %mul3A_2] : memref<200x32x4096xf32, #tpu.memory_space<hbm>> -> memref<5x32x128xf32, #tpu.memory_space<hbm>>
      %dma_start3A_528 = arith.constant 0 : i32
      %dma_start3A_529 = arith.constant 0 : i32
      %dma_start3A_530 = arith.constant 0 : i32
      %dma_start3A_531 = tpu.memref_slice %arg12[%dma_start3A_528, %dma_start3A_529, %dma_start3A_530] : memref<5x32x129xf32, #tpu.memory_space<vmem>> -> memref<5x32x128xf32, #tpu.memory_space<vmem>>
      tpu.enqueue_dma source(%dma_start3A_531 : memref<5x32x128xf32, #tpu.memory_space<vmem>>) target(%dma_start3A_527 : memref<5x32x128xf32, #tpu.memory_space<hbm>>) target_semaphore(%arg16 : memref<!tpu.dma_semaphore, #tpu.memory_space<semaphore_mem>>)
    }
    %scan3A_106 = arith.constant 20 : i32
    %dma_wait3A = arith.constant 0 : i32
    %dma_wait3A_107 = arith.constant 0 : i32
    %dma_wait3A_108 = arith.constant 0 : i32
    %dma_wait3A_109 = tpu.memref_slice %arg11[%dma_wait3A, %dma_wait3A_107, %dma_wait3A_108] : memref<5x32x129xf32, #tpu.memory_space<vmem>> -> memref<5x32x128xf32, #tpu.memory_space<vmem>>
    %dma_wait3A_110 = arith.constant 195 : i32
    %dma_wait3A_111 = arith.constant 0 : i32
    %dma_wait3A_112 = tpu.memref_slice %arg5[%dma_wait3A_110, %dma_wait3A_111, %mul3A_2] : memref<200x32x4096xf32, #tpu.memory_space<hbm>> -> memref<5x32x128xf32, #tpu.memory_space<hbm>>
    %dma_wait3A_113 = arith.constant 195 : i32
    %dma_wait3A_114 = arith.constant 0 : i32
    %dma_wait3A_115 = tpu.memref_slice %arg5[%dma_wait3A_113, %dma_wait3A_114, %mul3A_2] : memref<200x32x4096xf32, #tpu.memory_space<hbm>> -> memref<5x32x128xf32, #tpu.memory_space<hbm>>
    %dma_wait3A_116 = arith.constant 0 : i32
    %dma_wait3A_117 = arith.constant 0 : i32
    %dma_wait3A_118 = arith.constant 0 : i32
    %dma_wait3A_119 = tpu.memref_slice %arg11[%dma_wait3A_116, %dma_wait3A_117, %dma_wait3A_118] : memref<5x32x129xf32, #tpu.memory_space<vmem>> -> memref<5x32x128xf32, #tpu.memory_space<vmem>>
    tpu.wait_dma2 semaphore(%arg15 : memref<!tpu.dma_semaphore, #tpu.memory_space<semaphore_mem>>) src(%dma_wait3A_119 : memref<5x32x128xf32, #tpu.memory_space<vmem>>) dst(%dma_wait3A_115 : memref<5x32x128xf32, #tpu.memory_space<hbm>>)
    %dma_wait3A_120 = arith.constant 0 : i32
    %dma_wait3A_121 = arith.constant 0 : i32
    %dma_wait3A_122 = arith.constant 0 : i32
    %dma_wait3A_123 = tpu.memref_slice %arg12[%dma_wait3A_120, %dma_wait3A_121, %dma_wait3A_122] : memref<5x32x129xf32, #tpu.memory_space<vmem>> -> memref<5x32x128xf32, #tpu.memory_space<vmem>>
    %dma_wait3A_124 = arith.constant 195 : i32
    %dma_wait3A_125 = arith.constant 0 : i32
    %dma_wait3A_126 = tpu.memref_slice %arg6[%dma_wait3A_124, %dma_wait3A_125, %mul3A_2] : memref<200x32x4096xf32, #tpu.memory_space<hbm>> -> memref<5x32x128xf32, #tpu.memory_space<hbm>>
    %dma_wait3A_127 = arith.constant 195 : i32
    %dma_wait3A_128 = arith.constant 0 : i32
    %dma_wait3A_129 = tpu.memref_slice %arg6[%dma_wait3A_127, %dma_wait3A_128, %mul3A_2] : memref<200x32x4096xf32, #tpu.memory_space<hbm>> -> memref<5x32x128xf32, #tpu.memory_space<hbm>>
    %dma_wait3A_130 = arith.constant 0 : i32
    %dma_wait3A_131 = arith.constant 0 : i32
    %dma_wait3A_132 = arith.constant 0 : i32
    %dma_wait3A_133 = tpu.memref_slice %arg12[%dma_wait3A_130, %dma_wait3A_131, %dma_wait3A_132] : memref<5x32x129xf32, #tpu.memory_space<vmem>> -> memref<5x32x128xf32, #tpu.memory_space<vmem>>
    tpu.wait_dma2 semaphore(%arg16 : memref<!tpu.dma_semaphore, #tpu.memory_space<semaphore_mem>>) src(%dma_wait3A_133 : memref<5x32x128xf32, #tpu.memory_space<vmem>>) dst(%dma_wait3A_129 : memref<5x32x128xf32, #tpu.memory_space<hbm>>)
    return
  }
}

</mosaic_0001>

<sc_bundles>
// kernel: kernel.3.cloned.1.call-start
scs
__scs_entry_jumppad:
0x0: {  	(pc) =	sbr.rel $0x88, $3  }
0x1: {  	(tag) =	ssettag $0x0;
	lr =	simm.s32 $0x1  }
0x2: {  	[smem:$0x3F9E] =	sst lr;
	_ =	strace $0xD0000000  }
0x3: {  	_ = 	snop  }
0x4: {  	_ = 	snop  }
0x5: {  	_ = 	snop  }
0x6: {  	_ = 	snop  }
0x7: {  	_ = 	snop  }
__scs_overlays_trampoline_lowered:
0x8: {  	[smem:$0x3FAD] =	sst s0  }
0x9: {  	[smem:$0x3FAE] =	sst s1  }
0xa: {  	[smem:$0x3FAF] =	sst s2  }
0xb: {  	[smem:$0x3FB0] =	sst s3  }
0xc: {  	[smem:$0x3FB1] =	sst s4  }
0xd: {  	[smem:$0x3FB2] =	sst s5  }
0xe: {  	[smem:$0x3FB3] =	sst s6  }
0xf: {  	[smem:$0x3FB4] =	sst s7  }
0x10: {  	[smem:$0x3FB5] =	sst s8  }
0x11: {  	[smem:$0x3FB6] =	sst s9;
	s0 =	simm.s32 @!p0 $0x0  }
0x12: {  	s1 =	sld [smem:$0x3F9C];
	s0 =	simm.s32 @p0 $0x1  }
0x13: {  	[smem:$0x3FB7] =	sst s0;
	s0 =	simm.s32 @!p1 $0x0  }
0x14: {  	s2 =	sld [smem:$0x3F9B];
	s0 =	simm.s32 @p1 $0x1  }
0x15: {  	[smem:$0x3FB8] =	sst s0;
	s0 =	simm.s32 @!p2 $0x0  }
0x16: {  	s3 =	sld [smem:$0x3FDB];
	s0 =	simm.s32 @p2 $0x1  }
0x17: {  	s4 =	simm.s32 $0x1BF5;
	[smem:$0x3FBA] =	sst s0  }
0x18: {  	s0 =	sld [smem:$0x3F9D];
	_ =	swait.ge [sflag:s4], $0x0  }
0x19: {  	s7 =	sld [smem:$0x3F9E]  }
0x1a: {  	s8 =	sadd.s32 $0xFFFFE003, lr  }
0x1b: {  	s9 =	sadd.s32 $0xFFFFFEF7, lr;
	s5 =	simm.s32 $0xFFFFFFFF;
	p2 =	slt.u32 s8, $0xFFFFF086  }
0x1c: {  	p1 =	slt.u32 s9, $0xF7A;
	s5 =	simm.s32 @!p2 $0x0  }
0x1d: {  	s5 =	simm.s32 @p1 $0x1;
	p0 =	seq.s32 s7, s2  }
0x1e: {  	s7 =	smul.u32 @!p0 $0xF7A, s2;
	p2 =	seq.s32 @!p0 s5, $0x0  }
0x1f: {  	s9 =	smul.u32 $0xF7A, s1;
	s8 =	simm.s32 @!p0 $0x1BF5;
	p2 =	por !p2, p0  }
0x20: {  	[sflag:s8] =	ssyncset.s32 @!p0 $0xFFFFF086;
	s6 =	sadd.s32 @!p0 s3, s7;
	s7 =	simm.s32 @!p0 $0x108  }
0x21: {  	s3 =	sadd.s32 s3, s9;
	s6 =	sadd.s32 @!p0 $0x88, s6;
	s7 =	simm.s32 @p2 $0x1082  }
0x22: {  	[simem:s7], [sflag:s8] =	dma.local @!p0 [hbm:s6], $0xF7A  }
0x23: {  	s9 =	sor.u32 $0xD0000000, s2;
	s6 =	simm.s32 $0x108;
	_ =	swait.ge @!p0 [sflag:s8], $0x0  }
0x24: {  	s3 =	sadd.s32 $0x88, s3;
	s6 =	simm.s32 @!p1 $0x1082;
	[sflag:s4] =	ssyncset.s32 $0xFFFFF086  }
0x25: {  	[simem:s6], [sflag:s4] =	dma.local [hbm:s3], $0xF7A  }
0x26: {  	[smem:$0x3F9E] =	sst s1;
	(tag) =	ssettag s2;
	_ =	strace s9  }
0x27: {  	s1 =	sld [smem:$0x3FAE]  }
0x28: {  	s2 =	sld [smem:$0x3FAF]  }
0x29: {  	s4 =	sld [smem:$0x3FB1]  }
0x2a: {  	p0 =	seq.s32 s5, $0x0;
	s5 =	sld [smem:$0x3FB2]  }
0x2b: {  	s6 =	sld [smem:$0x3FB3]  }
0x2c: {  	s7 =	sld [smem:$0x3FB4]  }
0x2d: {  	s3 =	simm.s32 $0x108;
	s8 =	sld [smem:$0x3FB5]  }
0x2e: {  	s3 =	simm.s32 @!p0 $0x1082;
	s9 =	sld [smem:$0x3FB6]  }
0x2f: {  	lr =	sadd.s32 s0, s3;
	s0 =	sld [smem:$0x3FAD]  }
0x30: {  	s3 =	sld [smem:$0x3FB0]  }
0x31: {  	[smem:$0x3FB9] =	sst s10  }
0x32: {  	s10 =	sld [smem:$0x3FB7];
	_ =	sdelay $0x3  }
0x33: {  	p0 =	seq.s32 s10, $0x1;
	s10 =	sld [smem:$0x3FB9];
	_ =	sdelay $0x3  }
0x34: {  	[smem:$0x3FB9] =	sst s10  }
0x35: {  	s10 =	sld [smem:$0x3FB8];
	_ =	sdelay $0x3  }
0x36: {  	p1 =	seq.s32 s10, $0x1;
	s10 =	sld [smem:$0x3FB9];
	_ =	sdelay $0x3  }
0x37: {  	[smem:$0x3FB9] =	sst s10  }
0x38: {  	s10 =	sld [smem:$0x3FBA]  }
0x39: {  	_ = 	snop;
	(pc) =	sbr.ind lr, $3  }
0x3a: {  	_ = 	snop  }
0x3b: {  	_ = 	snop  }
0x3c: {  	p2 =	seq.s32 s10, $0x1;
	s10 =	sld [smem:$0x3FB9]  }
0x3d: {  	_ =	shalt  }
0x3e: {  	_ =	shalt  }
0x3f: {  	_ =	shalt  }
0x40: {  	_ =	shalt  }
0x41: {  	_ =	shalt  }
0x42: {  	_ =	shalt  }
0x43: {  	_ =	shalt  }
0x44: {  	_ =	shalt  }
0x45: {  	_ =	shalt  }
0x46: {  	_ =	shalt  }
0x47: {  	_ =	shalt  }
0x48: {  	_ =	shalt  }
0x49: {  	_ =	shalt  }
0x4a: {  	_ =	shalt  }
0x4b: {  	_ =	shalt  }
0x4c: {  	_ =	shalt  }
0x4d: {  	_ =	shalt  }
0x4e: {  	_ =	shalt  }
0x4f: {  	_ =	shalt  }
0x50: {  	_ =	shalt  }
0x51: {  	_ =	shalt  }
0x52: {  	_ =	shalt  }
0x53: {  	_ =	shalt  }
0x54: {  	_ =	shalt  }
0x55: {  	_ =	shalt  }
0x56: {  	_ =	shalt  }
0x57: {  	_ =	shalt  }
0x58: {  	_ =	shalt  }
0x59: {  	_ =	shalt  }
0x5a: {  	_ =	shalt  }
0x5b: {  	_ =	shalt  }
0x5c: {  	_ =	shalt  }
0x5d: {  	_ =	shalt  }
0x5e: {  	_ =	shalt  }
0x5f: {  	_ =	shalt  }
0x60: {  	_ =	shalt  }
0x61: {  	_ =	shalt  }
0x62: {  	_ =	shalt  }
0x63: {  	_ =	shalt  }
0x64: {  	_ =	shalt  }
0x65: {  	_ =	shalt  }
0x66: {  	_ =	shalt  }
0x67: {  	_ =	shalt  }
0x68: {  	_ =	shalt  }
0x69: {  	_ =	shalt  }
0x6a: {  	_ =	shalt  }
0x6b: {  	_ =	shalt  }
0x6c: {  	_ =	shalt  }
0x6d: {  	_ =	shalt  }
0x6e: {  	_ =	shalt  }
0x6f: {  	_ =	shalt  }
0x70: {  	_ =	shalt  }
0x71: {  	_ =	shalt  }
0x72: {  	_ =	shalt  }
0x73: {  	_ =	shalt  }
0x74: {  	_ =	shalt  }
0x75: {  	_ =	shalt  }
0x76: {  	_ =	shalt  }
0x77: {  	_ =	shalt  }
0x78: {  	_ =	shalt  }
0x79: {  	_ =	shalt  }
0x7a: {  	_ =	shalt  }
0x7b: {  	_ =	shalt  }
0x7c: {  	_ =	shalt  }
0x7d: {  	_ =	shalt  }
0x7e: {  	_ =	shalt  }
0x7f: {  	_ =	shalt  }
0x80: {  	_ =	shalt  }
0x81: {  	_ =	shalt  }
0x82: {  	_ =	shalt  }
0x83: {  	_ =	shalt  }
0x84: {  	_ =	shalt  }
0x85: {  	_ =	shalt  }
0x86: {  	_ =	shalt  }
0x87: {  	_ =	shalt  }
.Lfunc_end0:
.L_simem_size_0:
called_computation_lowered:
.L_overlay_start_0:
0x88: {  	s2 =	sld [smem:$0x3FD9]  }
0x89: {  	s3 =	sld [smem:$0x3FFE];
	_ =	sdelay $0x1  }
0x8a: {  	s1 =	srdreg.scid  }
0x8b: {  	s0 =	sand.u32 $0x1, s1  }
0x8c: {  	s17 =	sshll.u32 s0, $0xA;
	s2 =	sadd.s32 s3, s2  }
0x8d: {  	s2 =	sadd.s32 s2, s17  }
0x8e: {  	[smem:$0x3FC5] =	sst s2  }
0x8f: {  	_ = 	snop  }
0x90: {  	s2 =	sld [smem:$0x3FD0];
	(tm) =	ssettm $0x1  }
0x91: {  	s18 =	sld [smem:$0x3FFB];
	_ =	sdelay $0x3  }
0x92: {  	_ =	strace s18  }
0x93: {  	s3 =	sld [smem:$0x3FFC];
	_ =	sdelay $0x3  }
0x94: {  	_ =	strace s3  }
0x95: {  	s3 =	sld [smem:$0x3FFD];
	_ =	sdelay $0x3  }
0x96: {  	_ =	strace s3  }
0x97: {  	_ =	strace $0x8FFFFFFF  }
0x98: {  	s19 =	sld [smem:$0x3FDB];
	_ =	sdelay $0x1  }
0x99: {  	s4 =	simm.s32 $_scs_section_size  }
0x9a: {  	s5 =	simm.s32 $_size__tile_overlayer_lowered;
	s6 =	simm.s32 $_tile_overlayer_lowered  }
0x9b: {  	s22 =	simm.s32 $0x1BFF;
	s21 =	sshll.u32 s6, $0x1;
	s3 =	sadd.s32 s4, s19  }
0x9c: {  	s7 =	simm.s32 $0x0;
	s20 =	sshll.u32 s5, $0x1;
	s5 =	sadd.s32 s21, s3  }
0x9d: {  	[timem:s7], [sflag:s22] =	dma.local [hbm:s5], s20  }
0x9e: {  	_ =	swait.ge [sflag:s22], s20  }
0x9f: {  	s4 =	ssub.s32 $0x0, s20;
	[sflag:s22] =	ssyncset.done $0x0  }
0xa0: {  	[sflag:s22] =	ssyncadd.s32 s4;
	_ =	sdelay $0x1  }
0xa1: {  	s23 =	simm.s32 $0x1B8B  }
0xa2: {  	_ =	swait.ge [sflag:s23], $0x1  }
0xa3: {  	[sflag:s23] =	ssyncset.done $0x0  }
0xa4: {  	s25 =	simm.s32 $0x1B8E;
	s24 =	sld [smem:$0x3FFE];
	[sflag:s23] =	ssyncadd.s32 $0xFFFFFFFF  }
0xa5: {  	s26 =	simm.s32 $execute0_lowered;
	[smem:$0x3FD2] =	sst s25  }
0xa6: {  	s5 =	sshll.u32 s26, $0x1;
	_ =	strace $0x80000046;
	[dreg:$0x1] =	wrdreg $0xFFFFFFFF  }
0xa7: {  	s28 =	simm.s32 $_size_execute0_lowered;
	s3 =	sadd.s32 s3, s5;
	[dreg:$0x0] =	wrdreg $0x0  }
0xa8: {  	s5 =	sshll.u32 s28, $0x1;
	[dreg:$0x2] =	wrdreg s3  }
0xa9: {  	[dreg:$0x3] =	wrdreg s5  }
0xaa: {  	[dreg:$0x4] =	wrdreg $0xC0  }
0xab: {  	_ =	task [dreg:s7], $0x5FFFF  }
0xac: {  	[dreg:$0x1] =	wrdreg $0xFFFFFFFF  }
0xad: {  	[dreg:$0x0] =	wrdreg $0x60  }
0xae: {  	[dreg:$0x2] =	wrdreg s24  }
0xaf: {  	[dreg:$0x3] =	wrdreg s2  }
0xb0: {  	[dreg:$0x4] =	wrdreg $0x9  }
0xb1: {  	_ =	task.clear_ibuf [dreg:s7], $0x5FFFF;
	_ =	strace $0x90000046  }
0xb2: {  	s29 =	simm.s32 $0x9;
	_ =	strace $0x80000048  }
0xb3: {  	_ =	swait.ge [sflag:s29], $0x1  }
0xb4: {  	[sflag:s29] =	ssyncadd.s32 $0xFFFFFFFF  }
0xb5: {  	_ =	strace $0x90000048  }
0xb6: {  	_ =	sfence  }
0xb7: {  	s30 =	sld [smem:$0x0];
	_ =	sdelay $0x2  }
0xb8: {  	s31 =	sshll.u32 s1, $0xD;
	s1 =	sshrl.u32 s1, $0x2  }
0xb9: {  	s3 =	sand.u32 $0x4000, s31;
	s1 =	sadd.s32 s1, s30  }
0xba: {  	s0 =	sor.u32 s3, s0;
	s1 =	sshll.u32 s1, $0x11  }
0xbb: {  	s0 =	sor.u32 s1, s0  }
0xbc: {  	s0 =	sadd.s32 $0x8F2B, s0  }
0xbd: {  	[sflag:s0] =	ssyncadd.remote.s32 $0x1  }
0xbe: {  	_ =	sfence.sel $0xFFFF  }
0xbf: {  	[dreg:$0x0] =	wrdreg $0xFFFFFFFF;
	(pc) =	sbr.abs _section_cstart, $3  }
0xc0: {  	[dreg:$0x1] =	wrdreg $0xFFFFFFFF  }
0xc1: {  	_ =	task.clear_ibuf [dreg:s7], $0x2FFFF;
	_ =	strace $0x9FFFFFFF  }
0xc2: {  	(tm) =	ssettm $0x7FFFFFFF  }
0xc3: {  	_ =	shalt  }
tec
execute0_lowered:
.L_overlay_start_1:
0x0: {  	(tag) =	ssettag $0x1  }
0x1: {  	s0 =	rddreg [dreg:$0x0]  }
0x2: {  	s1 =	rddreg [dreg:$0x1]  }
0x3: {  	s2 =	simm.s32 $0x0;
	s3 =	srdreg.scid;
	s6 =	stileid.u32  }
0x4: {  	s12 =	simm.s32 $0x80;
	s13 =	simm.s32 $0x1000;
	s14 =	simm.s32 $0x5  }
0x5: {  	s29 =	simm.s32 $0x280;
	s16 =	simm.s32 $0x380;
	s20 =	simm.s32 $0x400  }
0x6: {  	s24 =	simm.s32 $0x480;
	s28 =	simm.s32 $0x13500;
	s19 =	simm.s32 $0x1  }
0x7: {  	s22 =	simm.s32 $0x14500;
	s25 =	simm.s32 $0x19A00;
	s11 =	simm.s32 $0x3  }
0x8: {  	s30 =	simm.s32 $0x4;
	s15 =	simm.s32 $0x0;
	[smem:$0x7FF] =	sst s2  }
0x9: {  	s4 =	sadd.s32 $0xA00, s0;
	s3 =	sand.u32 $0x1, s3;
	s5 =	sadd.s32 $0xF42E00, s0  }
0xa: {  	v0 =	vlaneseq.u32;
	s7 =	sshll.u32 s6, $0x8;
	s6 =	sadd.s32 $0x19A00, s0;
	s8 =	sshll.u32 s3, $0x7  }
0xb: {  	v0 =	vmul.u32 $0x88, v0;
	_ =	strace $0x80000047;
	s3 =	ssub.s32 $0x2, s3;
	s7 =	sor.u32 s8, s7  }
0xc: {  	s8 =	sadd.s32 $0x339A00, s0;
	s26 =	sshrl.u32 s3, $0x1;
	s9 =	sshrl.u32 s7, $0x3  }
0xd: {  	v1 =	vadd.s32 $0x880, v0;
	v2 =	vadd.s32 $0x1100, v0;
	v3 =	vadd.s32 $0x1980, v0;
	s0 =	ssub.s32 s3, s26;
	s10 =	sor.u32 $0xA000, s7;
	s31 =	sadd.s32 s4, s9  }
0xe: {  	v4 =	vadd.s32 $0x2200, v0;
	v5 =	vadd.s32 $0x2A80, v0;
	v6 =	vadd.s32 $0x3300, v0;
	s26 =	simm.s32 $0xE500;
	s0 =	smax.u32 s0, $0x1;
	[dreg:$0x3] =	wrdreg s31  }
0xf: {  	v7 =	vadd.s32 $0x3B80, v0;
	v8 =	vadd.s32 $0x4400, v0;
	v9 =	vadd.s32 $0x4C80, v0;
	s9 =	simm.s32 $0x2;
	[dreg:$0x4] =	wrdreg s0;
	s0 =	simm.s32 $0x300  }
.LBB2_1:
0x10: {  	[dreg:$0x5] =	wrdreg s15  }
0x11: {  	s3 =	rddreg [dreg:$0x3]  }
0x12: {  	[tilespmem:s2], [sflag:$0x5] =	stream.strided.gather [hbm4b:s3+s12], $0x280, s13, s12, $0x38;
	[tilespmem:$0x1EF00] =	vst v63  }
0x13: {  	_ =	swait.ge [sflag:s14], $0x280  }
0x14: {  	[sflag:s14] =	ssyncset.done $0x0  }
0x15: {  	s15 =	simm.s32 $0x500;
	[sflag:s14] =	ssyncadd.s32 $0xFFFFFD80  }
0x16: {  	[tilespmem:s15], [sflag:$0x1] =	stream.indirect.gather [hbm4b:s1+s12], $0x20, s2, s12, $0xb8;
	[tilespmem:$0x1EF00] =	vst v63  }
0x17: {  	s17 =	simm.s32 $0x5500  }
0x18: {  	[tilespmem:s17], [sflag:$0x2] =	stream.indirect.gather [hbm4b:s5+s12], $0x20, s2, s12, $0xb8;
	[tilespmem:$0x1EF00] =	vst v63  }
0x19: {  	s18 =	simm.s32 $0x1500  }
0x1a: {  	[tilespmem:s18], [sflag:$0x1] =	stream.indirect.gather [hbm4b:s1+s12], $0x20, s12, s12, $0xb8;
	[tilespmem:$0x1EF00] =	vst v63  }
0x1b: {  	s21 =	simm.s32 $0x6500  }
0x1c: {  	[tilespmem:s21], [sflag:$0x2] =	stream.indirect.gather [hbm4b:s5+s12], $0x20, s12, s12, $0xb8;
	[tilespmem:$0x1EF00] =	vst v63  }
0x1d: {  	s23 =	simm.s32 $0x100;
	s17 =	simm.s32 $0x2500  }
0x1e: {  	[tilespmem:s17], [sflag:$0x1] =	stream.indirect.gather [hbm4b:s1+s12], $0x20, s23, s12, $0xb8;
	[tilespmem:$0x1EF00] =	vst v63  }
0x1f: {  	s18 =	simm.s32 $0x7500  }
0x20: {  	[tilespmem:s18], [sflag:$0x2] =	stream.indirect.gather [hbm4b:s5+s12], $0x20, s23, s12, $0xb8;
	[tilespmem:$0x1EF00] =	vst v63  }
0x21: {  	s21 =	simm.s32 $0x180;
	s23 =	simm.s32 $0x3500  }
0x22: {  	[tilespmem:s23], [sflag:$0x1] =	stream.indirect.gather [hbm4b:s1+s12], $0x20, s21, s12, $0xb8;
	[tilespmem:$0x1EF00] =	vst v63  }
0x23: {  	s17 =	simm.s32 $0x8500  }
0x24: {  	[tilespmem:s17], [sflag:$0x2] =	stream.indirect.gather [hbm4b:s5+s12], $0x20, s21, s12, $0xb8;
	[tilespmem:$0x1EF00] =	vst v63  }
0x25: {  	s18 =	simm.s32 $0x200;
	s21 =	simm.s32 $0x4500  }
0x26: {  	[tilespmem:s21], [sflag:$0x1] =	stream.indirect.gather [hbm4b:s1+s12], $0x20, s18, s12, $0xb8;
	[tilespmem:$0x1EF00] =	vst v63  }
0x27: {  	s31 =	simm.s32 $0x0;
	s23 =	simm.s32 $0x9500  }
0x28: {  	[tilespmem:s23], [sflag:$0x2] =	stream.indirect.gather [hbm4b:s5+s12], $0x20, s18, s12, $0xb8;
	[tilespmem:$0x1EF00] =	vst v63  }
.LBB2_2:
0x29: {  	s3 =	sshllo.u32 s31, $0x1  }
0x2a: {  	s15 =	smul.u32 $0x5000, s3;
	_ =	sdelay $0x1  }
0x2b: {  	s15 =	sor.u32 s7, s15  }
0x2c: {  	s15 =	sshrl.u32 s15, $0x3  }
0x2d: {  	s15 =	sadd.s32 s4, s15  }
0x2e: {  	[tilespmem:s29], [sflag:$0x5] =	stream.strided.gather [hbm4b:s15+s12], $0x280, s13, s12, $0x38;
	[tilespmem:$0x1EF00] =	vst v63  }
0x2f: {  	_ =	swait.ge [sflag:s14], $0x280  }
0x30: {  	[sflag:s14] =	ssyncset.done $0x0  }
0x31: {  	s23 =	simm.s32 $0xA500;
	[sflag:s14] =	ssyncadd.s32 $0xFFFFFD80  }
0x32: {  	[tilespmem:s23], [sflag:$0x1] =	stream.indirect.gather [hbm4b:s1+s12], $0x20, s29, s12, $0xb8;
	[tilespmem:$0x1EF00] =	vst v63  }
0x33: {  	s17 =	simm.s32 $0xF500  }
0x34: {  	[tilespmem:s17], [sflag:$0x2] =	stream.indirect.gather [hbm4b:s5+s12], $0x20, s29, s12, $0xb8;
	[tilespmem:$0x1EF00] =	vst v63  }
0x35: {  	s18 =	simm.s32 $0xB500  }
0x36: {  	[tilespmem:s18], [sflag:$0x1] =	stream.indirect.gather [hbm4b:s1+s12], $0x20, s0, s12, $0xb8;
	[tilespmem:$0x1EF00] =	vst v63  }
0x37: {  	s21 =	simm.s32 $0x10500  }
0x38: {  	[tilespmem:s21], [sflag:$0x2] =	stream.indirect.gather [hbm4b:s5+s12], $0x20, s0, s12, $0xb8;
	[tilespmem:$0x1EF00] =	vst v63  }
0x39: {  	s23 =	simm.s32 $0xC500  }
0x3a: {  	[tilespmem:s23], [sflag:$0x1] =	stream.indirect.gather [hbm4b:s1+s12], $0x20, s16, s12, $0xb8;
	[tilespmem:$0x1EF00] =	vst v63  }
0x3b: {  	s17 =	simm.s32 $0x11500  }
0x3c: {  	[tilespmem:s17], [sflag:$0x2] =	stream.indirect.gather [hbm4b:s5+s12], $0x20, s16, s12, $0xb8;
	[tilespmem:$0x1EF00] =	vst v63  }
0x3d: {  	s18 =	simm.s32 $0xD500  }
0x3e: {  	[tilespmem:s18], [sflag:$0x1] =	stream.indirect.gather [hbm4b:s1+s12], $0x20, s20, s12, $0xb8;
	[tilespmem:$0x1EF00] =	vst v63  }
0x3f: {  	s21 =	simm.s32 $0x12500  }
0x40: {  	[tilespmem:s21], [sflag:$0x2] =	stream.indirect.gather [hbm4b:s5+s12], $0x20, s20, s12, $0xb8;
	[tilespmem:$0x1EF00] =	vst v63  }
0x41: {  	p0 =	seq.s32 s31, $0x0  }
0x42: {  	[tilespmem:s26], [sflag:$0x1] =	stream.indirect.gather [hbm4b:s1+s12], $0x20, s24, s12, $0xb8;
	[tilespmem:$0x1EF00] =	vst v63  }
0x43: {  	s15 =	simm.s32 @!p0 $0x3  }
0x44: {  	[tilespmem:s28], [sflag:$0x2] =	stream.indirect.gather [hbm4b:s5+s12], $0x20, s24, s12, $0xb8;
	[tilespmem:$0x1EF00] =	vst v63  }
0x45: {  	_ =	swait.ge @!p0 [sflag:s15], $0x5000  }
0x46: {  	[sflag:s15] =	ssyncset.done @!p0 $0x0  }
0x47: {  	[sflag:s15] =	ssyncadd.s32 @!p0 $0xFFFFB000;
	s15 =	simm.s32 @!p0 $0x4  }
0x48: {  	_ =	swait.ge @!p0 [sflag:s15], $0x5000  }
0x49: {  	[sflag:s15] =	ssyncset.done @!p0 $0x0  }
0x4a: {  	[sflag:s15] =	ssyncadd.s32 @!p0 $0xFFFFB000  }
0x4b: {  	_ =	swait.ge [sflag:s19], $0x1000  }
0x4c: {  	[sflag:s19] =	ssyncset.done $0x0  }
0x4d: {  	[sflag:s19] =	ssyncadd.s32 $0xFFFFF000  }
0x4e: {  	_ =	swait.ge [sflag:s19], $0x1000  }
0x4f: {  	[sflag:s19] =	ssyncset.done $0x0  }
0x50: {  	[sflag:s19] =	ssyncadd.s32 $0xFFFFF000  }
0x51: {  	_ =	swait.ge [sflag:s19], $0x1000  }
0x52: {  	[sflag:s19] =	ssyncset.done $0x0  }
0x53: {  	[sflag:s19] =	ssyncadd.s32 $0xFFFFF000  }
0x54: {  	_ =	swait.ge [sflag:s19], $0x1000  }
0x55: {  	[sflag:s19] =	ssyncset.done $0x0  }
0x56: {  	[sflag:s19] =	ssyncadd.s32 $0xFFFFF000  }
0x57: {  	s23 =	simm.s32 $0x0;
	_ =	swait.ge [sflag:s19], $0x1000  }
0x58: {  	v10 =	vmov s23;
	[sflag:s19] =	ssyncset.done $0x0  }
0x59: {  	v11 =	vand.u32 $0x7F, v10;
	s15 =	simm.s32 $0x2510;
	[sflag:s19] =	ssyncadd.s32 $0xFFFFF000  }
0x5a: {  	v12 =	vadd.s32 v0, v11;
	v10 =	vld [tilespmem:s15+$0xFFFFDFF0];
	_ =	sdelay $0x4  }
0x5b: {  	[tilespmem:v12+s22+$0x0] =	vst.idx.msk $0xffff, v10  }
0x5c: {  	v12 =	vadd.s32 v1, v11;
	v10 =	vld [tilespmem:s15+$0xFFFFE000];
	_ =	sdelay $0x4  }
0x5d: {  	[tilespmem:v12+s22+$0x0] =	vst.idx.msk $0xffff, v10  }
0x5e: {  	v12 =	vadd.s32 v2, v11;
	v10 =	vld [tilespmem:s15+$0xFFFFEFF0];
	_ =	sdelay $0x4  }
0x5f: {  	[tilespmem:v12+s22+$0x0] =	vst.idx.msk $0xffff, v10  }
0x60: {  	v12 =	vadd.s32 v3, v11;
	v10 =	vld [tilespmem:s15+$0xFFFFF000];
	_ =	sdelay $0x4  }
0x61: {  	[tilespmem:v12+s22+$0x0] =	vst.idx.msk $0xffff, v10  }
0x62: {  	v12 =	vadd.s32 v4, v11;
	v10 =	vld [tilespmem:s15+$0xFFFFFFF0];
	_ =	sdelay $0x4  }
0x63: {  	[tilespmem:v12+s22+$0x0] =	vst.idx.msk $0xffff, v10  }
0x64: {  	v12 =	vadd.s32 v5, v11;
	v10 =	vld [tilespmem:s15+$0x0];
	_ =	sdelay $0x4  }
0x65: {  	[tilespmem:v12+s22+$0x0] =	vst.idx.msk $0xffff, v10  }
0x66: {  	v12 =	vadd.s32 v6, v11;
	v10 =	vld [tilespmem:s15+$0xFF0];
	_ =	sdelay $0x4  }
0x67: {  	[tilespmem:v12+s22+$0x0] =	vst.idx.msk $0xffff, v10  }
0x68: {  	v12 =	vadd.s32 v7, v11;
	v10 =	vld [tilespmem:s15+$0x1000];
	_ =	sdelay $0x4  }
0x69: {  	[tilespmem:v12+s22+$0x0] =	vst.idx.msk $0xffff, v10  }
0x6a: {  	v12 =	vadd.s32 v8, v11;
	v10 =	vld [tilespmem:s15+$0x1FF0];
	_ =	sdelay $0x4  }
0x6b: {  	[tilespmem:v12+s22+$0x0] =	vst.idx.msk $0xffff, v10  }
0x6c: {  	v11 =	vadd.s32 v9, v11;
	v10 =	vld [tilespmem:s15+$0x2000];
	_ =	sdelay $0x2  }
0x6d: {  	s17 =	simm.s32 $0x1  }
0x6e: {  	v12 =	vmov s17;
	s17 =	simm.s32 $0x2  }
.LBB2_3:
0x6f: {  	p0 =	sne.s32 s17, $0x7F;
	v12 =	vand.u32 $0x7F, v12;
	[tilespmem:v11+s22+$0x0] =	vst.idx.msk $0xffff, v10;
	s15 =	sadd.s32 $0x20, s15  }
0x70: {  	v10 =	vld [tilespmem:s15+$0xFFFFDFF0];
	v11 =	vadd.s32 v0, v12;
	_ =	sdelay $0x4  }
0x71: {  	[tilespmem:v11+s22+$0x0] =	vst.idx.msk $0xffff, v10  }
0x72: {  	v11 =	vadd.s32 v1, v12;
	v10 =	vld [tilespmem:s15+$0xFFFFE000];
	_ =	sdelay $0x4  }
0x73: {  	[tilespmem:v11+s22+$0x0] =	vst.idx.msk $0xffff, v10  }
0x74: {  	v11 =	vadd.s32 v2, v12;
	v10 =	vld [tilespmem:s15+$0xFFFFEFF0];
	_ =	sdelay $0x4  }
0x75: {  	[tilespmem:v11+s22+$0x0] =	vst.idx.msk $0xffff, v10  }
0x76: {  	v11 =	vadd.s32 v3, v12;
	v10 =	vld [tilespmem:s15+$0xFFFFF000];
	_ =	sdelay $0x4  }
0x77: {  	[tilespmem:v11+s22+$0x0] =	vst.idx.msk $0xffff, v10  }
0x78: {  	v11 =	vadd.s32 v4, v12;
	v10 =	vld [tilespmem:s15+$0xFFFFFFF0];
	_ =	sdelay $0x4  }
0x79: {  	[tilespmem:v11+s22+$0x0] =	vst.idx.msk $0xffff, v10  }
0x7a: {  	v11 =	vadd.s32 v5, v12;
	v10 =	vld [tilespmem:s15+$0x0];
	_ =	sdelay $0x4  }
0x7b: {  	[tilespmem:v11+s22+$0x0] =	vst.idx.msk $0xffff, v10  }
0x7c: {  	v11 =	vadd.s32 v6, v12;
	v10 =	vld [tilespmem:s15+$0xFF0];
	_ =	sdelay $0x4  }
0x7d: {  	[tilespmem:v11+s22+$0x0] =	vst.idx.msk $0xffff, v10  }
0x7e: {  	v11 =	vadd.s32 v7, v12;
	v10 =	vld [tilespmem:s15+$0x1000];
	_ =	sdelay $0x4  }
0x7f: {  	[tilespmem:v11+s22+$0x0] =	vst.idx.msk $0xffff, v10  }
0x80: {  	v11 =	vadd.s32 v8, v12;
	v10 =	vld [tilespmem:s15+$0x1FF0];
	_ =	sdelay $0x4  }
0x81: {  	[tilespmem:v11+s22+$0x0] =	vst.idx.msk $0xffff, v10  }
.Ltmp0:
0x82: {  	v11 =	vadd.s32 v9, v12;
	v10 =	vld [tilespmem:s15+$0x2000];
	(pc) =	sbr.rel @p0 .LBB2_3-.Ltmp0, $2  }
0x83: {  	_ =	sdelay $0x2  }
0x84: {  	v12 =	vmov s17;
	s17 =	sadd.s32 $0x1, s17  }
0x85: {  	_ =	sdelay $0x3  }
0x86: {  	v12 =	vand.u32 $0x7F, v12;
	[tilespmem:v11+s22+$0x0] =	vst.idx.msk $0xffff, v10;
	s15 =	sadd.s32 $0x20, s15  }
0x87: {  	v10 =	vld [tilespmem:s15+$0xFFFFDFF0];
	v11 =	vadd.s32 v0, v12;
	_ =	sdelay $0x4  }
0x88: {  	[tilespmem:v11+s22+$0x0] =	vst.idx.msk $0xffff, v10  }
0x89: {  	v11 =	vadd.s32 v1, v12;
	v10 =	vld [tilespmem:s15+$0xFFFFE000];
	_ =	sdelay $0x4  }
0x8a: {  	[tilespmem:v11+s22+$0x0] =	vst.idx.msk $0xffff, v10  }
0x8b: {  	v11 =	vadd.s32 v2, v12;
	v10 =	vld [tilespmem:s15+$0xFFFFEFF0];
	_ =	sdelay $0x4  }
0x8c: {  	[tilespmem:v11+s22+$0x0] =	vst.idx.msk $0xffff, v10  }
0x8d: {  	v11 =	vadd.s32 v3, v12;
	v10 =	vld [tilespmem:s15+$0xFFFFF000];
	_ =	sdelay $0x4  }
0x8e: {  	[tilespmem:v11+s22+$0x0] =	vst.idx.msk $0xffff, v10  }
0x8f: {  	v11 =	vadd.s32 v4, v12;
	v10 =	vld [tilespmem:s15+$0xFFFFFFF0];
	_ =	sdelay $0x4  }
0x90: {  	[tilespmem:v11+s22+$0x0] =	vst.idx.msk $0xffff, v10  }
0x91: {  	v11 =	vadd.s32 v5, v12;
	v10 =	vld [tilespmem:s15+$0x0];
	_ =	sdelay $0x4  }
0x92: {  	[tilespmem:v11+s22+$0x0] =	vst.idx.msk $0xffff, v10  }
0x93: {  	v11 =	vadd.s32 v6, v12;
	v10 =	vld [tilespmem:s15+$0xFF0];
	_ =	sdelay $0x4  }
0x94: {  	[tilespmem:v11+s22+$0x0] =	vst.idx.msk $0xffff, v10  }
0x95: {  	v11 =	vadd.s32 v7, v12;
	v10 =	vld [tilespmem:s15+$0x1000];
	_ =	sdelay $0x4  }
0x96: {  	[tilespmem:v11+s22+$0x0] =	vst.idx.msk $0xffff, v10  }
0x97: {  	v11 =	vadd.s32 v8, v12;
	v10 =	vld [tilespmem:s15+$0x1FF0];
	_ =	sdelay $0x4  }
0x98: {  	[tilespmem:v11+s22+$0x0] =	vst.idx.msk $0xffff, v10  }
0x99: {  	v11 =	vadd.s32 v9, v12;
	v10 =	vld [tilespmem:s15+$0x2000]  }
0x9a: {  	s23 =	smul.u32 $0x140000, s31;
	_ =	sdelay $0x1  }
0x9b: {  	s15 =	sor.u32 s7, s23  }
0x9c: {  	s15 =	sshrl.u32 s15, $0x3  }
0x9d: {  	s18 =	simm.s32 $0x14500;
	s17 =	sadd.s32 s6, s15;
	[tilespmem:v11+s22+$0x0] =	vst.idx.msk $0xffff, v10  }
0x9e: {  	[hbm4b:s17+s2] =	stream.linear.scatter [tilespmem:s18], [sflag:$0x3], $0x80, $0x38;
	[tilespmem:$0x1EF00] =	vst v63  }
0x9f: {  	s18 =	simm.s32 $0x220  }
.LBB2_5:
0xa0: {  	p0 =	sne.s32 s18, $0x151E0  }
.Ltmp1:
0xa1: {  	_ = 	snop;
	(pc) =	sbr.rel @p0 .LBB2_5-.Ltmp1, $4  }
0xa2: {  	_ = 	snop  }
0xa3: {  	s21 =	sshra.s32 s18, $0x2;
	s18 =	sadd.s32 $0x220, s18  }
0xa4: {  	s17 =	sadd.s32 $0x200, s17;
	s21 =	sadd.s32 $0x14500, s21  }
0xa5: {  	[hbm4b:s17+s2] =	stream.linear.scatter [tilespmem:s21], [sflag:$0x3], $0x80, $0x38;
	[tilespmem:$0x1EF00] =	vst v63  }
0xa6: {  	_ =	swait.ge [sflag:s9], $0x1000  }
0xa7: {  	[sflag:s9] =	ssyncset.done $0x0  }
0xa8: {  	[sflag:s9] =	ssyncadd.s32 $0xFFFFF000  }
0xa9: {  	_ =	swait.ge [sflag:s9], $0x1000  }
0xaa: {  	[sflag:s9] =	ssyncset.done $0x0  }
0xab: {  	[sflag:s9] =	ssyncadd.s32 $0xFFFFF000  }
0xac: {  	_ =	swait.ge [sflag:s9], $0x1000  }
0xad: {  	[sflag:s9] =	ssyncset.done $0x0  }
0xae: {  	[sflag:s9] =	ssyncadd.s32 $0xFFFFF000  }
0xaf: {  	_ =	swait.ge [sflag:s9], $0x1000  }
0xb0: {  	[sflag:s9] =	ssyncset.done $0x0  }
0xb1: {  	[sflag:s9] =	ssyncadd.s32 $0xFFFFF000  }
0xb2: {  	s17 =	simm.s32 $0x0;
	_ =	swait.ge [sflag:s9], $0x1000  }
0xb3: {  	v10 =	vmov s17;
	[sflag:s9] =	ssyncset.done $0x0  }
0xb4: {  	s21 =	simm.s32 $0x0;
	v11 =	vand.u32 $0x7F, v10;
	[sflag:s9] =	ssyncadd.s32 $0xFFFFF000  }
0xb5: {  	v12 =	vadd.s32 v0, v11;
	v10 =	vld [tilespmem:s21+$0x5500];
	_ =	sdelay $0x4  }
0xb6: {  	[tilespmem:v12+s25+$0x0] =	vst.idx.msk $0xffff, v10  }
0xb7: {  	v12 =	vadd.s32 v1, v11;
	v10 =	vld [tilespmem:s21+$0x5510];
	_ =	sdelay $0x4  }
0xb8: {  	[tilespmem:v12+s25+$0x0] =	vst.idx.msk $0xffff, v10  }
0xb9: {  	v12 =	vadd.s32 v2, v11;
	v10 =	vld [tilespmem:s21+$0x6500];
	_ =	sdelay $0x4  }
0xba: {  	[tilespmem:v12+s25+$0x0] =	vst.idx.msk $0xffff, v10  }
0xbb: {  	v12 =	vadd.s32 v3, v11;
	v10 =	vld [tilespmem:s21+$0x6510];
	_ =	sdelay $0x4  }
0xbc: {  	[tilespmem:v12+s25+$0x0] =	vst.idx.msk $0xffff, v10  }
0xbd: {  	v12 =	vadd.s32 v4, v11;
	v10 =	vld [tilespmem:s21+$0x7500];
	_ =	sdelay $0x4  }
0xbe: {  	[tilespmem:v12+s25+$0x0] =	vst.idx.msk $0xffff, v10  }
0xbf: {  	v12 =	vadd.s32 v5, v11;
	v10 =	vld [tilespmem:s21+$0x7510];
	_ =	sdelay $0x4  }
0xc0: {  	[tilespmem:v12+s25+$0x0] =	vst.idx.msk $0xffff, v10  }
0xc1: {  	v12 =	vadd.s32 v6, v11;
	v10 =	vld [tilespmem:s21+$0x8500];
	_ =	sdelay $0x4  }
0xc2: {  	[tilespmem:v12+s25+$0x0] =	vst.idx.msk $0xffff, v10  }
0xc3: {  	v12 =	vadd.s32 v7, v11;
	v10 =	vld [tilespmem:s21+$0x8510];
	_ =	sdelay $0x4  }
0xc4: {  	[tilespmem:v12+s25+$0x0] =	vst.idx.msk $0xffff, v10  }
0xc5: {  	v12 =	vadd.s32 v8, v11;
	v10 =	vld [tilespmem:s21+$0x9500];
	_ =	sdelay $0x4  }
0xc6: {  	[tilespmem:v12+s25+$0x0] =	vst.idx.msk $0xffff, v10  }
0xc7: {  	v11 =	vadd.s32 v9, v11;
	v10 =	vld [tilespmem:s21+$0x9510];
	_ =	sdelay $0x2  }
0xc8: {  	s17 =	simm.s32 $0x1  }
0xc9: {  	s18 =	simm.s32 $0x80;
	v12 =	vmov s17;
	s21 =	simm.s32 $0x100  }
.LBB2_7:
0xca: {  	p0 =	sne.s32 s21, $0x3F80;
	s23 =	sshra.s32 s18, $0x2;
	v12 =	vand.u32 $0x7F, v12;
	[tilespmem:v11+s25+$0x0] =	vst.idx.msk $0xffff, v10;
	s18 =	smov.u32 s21  }
0xcb: {  	v10 =	vld [tilespmem:s23+$0x5500];
	v11 =	vadd.s32 v0, v12;
	_ =	sdelay $0x4  }
0xcc: {  	[tilespmem:v11+s25+$0x0] =	vst.idx.msk $0xffff, v10  }
0xcd: {  	v11 =	vadd.s32 v1, v12;
	v10 =	vld [tilespmem:s23+$0x5510];
	_ =	sdelay $0x4  }
0xce: {  	[tilespmem:v11+s25+$0x0] =	vst.idx.msk $0xffff, v10  }
0xcf: {  	v11 =	vadd.s32 v2, v12;
	v10 =	vld [tilespmem:s23+$0x6500];
	_ =	sdelay $0x4  }
0xd0: {  	[tilespmem:v11+s25+$0x0] =	vst.idx.msk $0xffff, v10  }
0xd1: {  	v11 =	vadd.s32 v3, v12;
	v10 =	vld [tilespmem:s23+$0x6510];
	_ =	sdelay $0x4  }
0xd2: {  	[tilespmem:v11+s25+$0x0] =	vst.idx.msk $0xffff, v10  }
0xd3: {  	v11 =	vadd.s32 v4, v12;
	v10 =	vld [tilespmem:s23+$0x7500];
	_ =	sdelay $0x4  }
0xd4: {  	[tilespmem:v11+s25+$0x0] =	vst.idx.msk $0xffff, v10  }
0xd5: {  	v11 =	vadd.s32 v5, v12;
	v10 =	vld [tilespmem:s23+$0x7510];
	_ =	sdelay $0x4  }
0xd6: {  	[tilespmem:v11+s25+$0x0] =	vst.idx.msk $0xffff, v10  }
0xd7: {  	v11 =	vadd.s32 v6, v12;
	v10 =	vld [tilespmem:s23+$0x8500];
	_ =	sdelay $0x4  }
0xd8: {  	[tilespmem:v11+s25+$0x0] =	vst.idx.msk $0xffff, v10  }
0xd9: {  	v11 =	vadd.s32 v7, v12;
	v10 =	vld [tilespmem:s23+$0x8510];
	_ =	sdelay $0x4  }
0xda: {  	[tilespmem:v11+s25+$0x0] =	vst.idx.msk $0xffff, v10  }
0xdb: {  	v11 =	vadd.s32 v8, v12;
	v10 =	vld [tilespmem:s23+$0x9500];
	_ =	sdelay $0x4  }
0xdc: {  	[tilespmem:v11+s25+$0x0] =	vst.idx.msk $0xffff, v10  }
.Ltmp2:
0xdd: {  	v11 =	vadd.s32 v9, v12;
	v10 =	vld [tilespmem:s23+$0x9510];
	(pc) =	sbr.rel @p0 .LBB2_7-.Ltmp2, $3  }
0xde: {  	_ =	sdelay $0x1  }
0xdf: {  	s17 =	sadd.s32 $0x1, s17  }
0xe0: {  	s21 =	sadd.s32 $0x80, s21;
	v12 =	vmov s17  }
0xe1: {  	_ =	sdelay $0x3  }
0xe2: {  	s17 =	sshra.s32 s18, $0x2;
	v12 =	vand.u32 $0x7F, v12;
	[tilespmem:v11+s25+$0x0] =	vst.idx.msk $0xffff, v10  }
0xe3: {  	v10 =	vld [tilespmem:s17+$0x5500];
	v11 =	vadd.s32 v0, v12;
	_ =	sdelay $0x4  }
0xe4: {  	[tilespmem:v11+s25+$0x0] =	vst.idx.msk $0xffff, v10  }
0xe5: {  	v11 =	vadd.s32 v1, v12;
	v10 =	vld [tilespmem:s17+$0x5510];
	_ =	sdelay $0x4  }
0xe6: {  	[tilespmem:v11+s25+$0x0] =	vst.idx.msk $0xffff, v10  }
0xe7: {  	v11 =	vadd.s32 v2, v12;
	v10 =	vld [tilespmem:s17+$0x6500];
	_ =	sdelay $0x4  }
0xe8: {  	[tilespmem:v11+s25+$0x0] =	vst.idx.msk $0xffff, v10  }
0xe9: {  	v11 =	vadd.s32 v3, v12;
	v10 =	vld [tilespmem:s17+$0x6510];
	_ =	sdelay $0x4  }
0xea: {  	[tilespmem:v11+s25+$0x0] =	vst.idx.msk $0xffff, v10  }
0xeb: {  	v11 =	vadd.s32 v4, v12;
	v10 =	vld [tilespmem:s17+$0x7500];
	_ =	sdelay $0x4  }
0xec: {  	[tilespmem:v11+s25+$0x0] =	vst.idx.msk $0xffff, v10  }
0xed: {  	v11 =	vadd.s32 v5, v12;
	v10 =	vld [tilespmem:s17+$0x7510];
	_ =	sdelay $0x4  }
0xee: {  	[tilespmem:v11+s25+$0x0] =	vst.idx.msk $0xffff, v10  }
0xef: {  	v11 =	vadd.s32 v6, v12;
	v10 =	vld [tilespmem:s17+$0x8500];
	_ =	sdelay $0x4  }
0xf0: {  	[tilespmem:v11+s25+$0x0] =	vst.idx.msk $0xffff, v10  }
0xf1: {  	v11 =	vadd.s32 v7, v12;
	v10 =	vld [tilespmem:s17+$0x8510];
	_ =	sdelay $0x4  }
0xf2: {  	[tilespmem:v11+s25+$0x0] =	vst.idx.msk $0xffff, v10  }
0xf3: {  	v11 =	vadd.s32 v8, v12;
	v10 =	vld [tilespmem:s17+$0x9500];
	_ =	sdelay $0x4  }
0xf4: {  	[tilespmem:v11+s25+$0x0] =	vst.idx.msk $0xffff, v10  }
0xf5: {  	v11 =	vadd.s32 v9, v12;
	v10 =	vld [tilespmem:s17+$0x9510];
	_ =	sdelay $0x4  }
0xf6: {  	s15 =	sadd.s32 s8, s15;
	s23 =	simm.s32 $0x19A00;
	s17 =	simm.s32 $0x220;
	[tilespmem:v11+s25+$0x0] =	vst.idx.msk $0xffff, v10  }
0xf7: {  	[hbm4b:s15+s2] =	stream.linear.scatter [tilespmem:s23], [sflag:$0x4], $0x80, $0x38;
	[tilespmem:$0x1EF00] =	vst v63  }
.LBB2_9:
0xf8: {  	p0 =	sne.s32 s17, $0x151E0  }
.Ltmp3:
0xf9: {  	_ = 	snop;
	(pc) =	sbr.rel @p0 .LBB2_9-.Ltmp3, $4  }
0xfa: {  	_ = 	snop  }
0xfb: {  	s18 =	sshra.s32 s17, $0x2;
	s17 =	sadd.s32 $0x220, s17  }
0xfc: {  	s15 =	sadd.s32 $0x200, s15;
	s18 =	sadd.s32 $0x19A00, s18  }
0xfd: {  	[hbm4b:s15+s2] =	stream.linear.scatter [tilespmem:s18], [sflag:$0x4], $0x80, $0x38;
	[tilespmem:$0x1EF00] =	vst v63  }
0xfe: {  	p0 =	seq.s32 s31, $0x13  }
0xff: {  	s15 =	smul.u32 @!p0 $0xA000, s31;
	_ =	sdelay $0x1  }
0x100: {  	s15 =	sadd.s32 @!p0 s10, s15  }
0x101: {  	s17 =	simm.s32 @!p0 $0x80;
	s15 =	sshrl.u32 @!p0 s15, $0x3  }
0x102: {  	s18 =	simm.s32 @!p0 $0x1000;
	s21 =	simm.s32 @!p0 $0x0;
	s15 =	sadd.s32 @!p0 s4, s15  }
0x103: {  	[tilespmem:s21], [sflag:$0x5] =	stream.strided.gather @!p0 [hbm4b:s15+s17], $0x280, s18, s17, $0x38;
	[tilespmem:$0x1EF00] =	vst v63  }
0x104: {  	s15 =	simm.s32 @!p0 $0x5  }
0x105: {  	_ =	swait.ge @!p0 [sflag:s15], $0x280  }
0x106: {  	[sflag:s15] =	ssyncset.done @!p0 $0x0  }
0x107: {  	[sflag:s15] =	ssyncadd.s32 @!p0 $0xFFFFFD80;
	s15 =	simm.s32 @!p0 $0x500  }
0x108: {  	[tilespmem:s15], [sflag:$0x1] =	stream.indirect.gather @!p0 [hbm4b:s1+s17], $0x20, s21, s17, $0xb8;
	[tilespmem:$0x1EF00] =	vst v63  }
0x109: {  	s15 =	simm.s32 @!p0 $0x5500  }
0x10a: {  	[tilespmem:s15], [sflag:$0x2] =	stream.indirect.gather @!p0 [hbm4b:s5+s17], $0x20, s21, s17, $0xb8;
	[tilespmem:$0x1EF00] =	vst v63  }
0x10b: {  	s15 =	simm.s32 @!p0 $0x1500  }
0x10c: {  	[tilespmem:s15], [sflag:$0x1] =	stream.indirect.gather @!p0 [hbm4b:s1+s17], $0x20, s17, s17, $0xb8;
	[tilespmem:$0x1EF00] =	vst v63  }
0x10d: {  	s15 =	simm.s32 @!p0 $0x6500  }
0x10e: {  	[tilespmem:s15], [sflag:$0x2] =	stream.indirect.gather @!p0 [hbm4b:s5+s17], $0x20, s17, s17, $0xb8;
	[tilespmem:$0x1EF00] =	vst v63  }
0x10f: {  	s18 =	simm.s32 @!p0 $0x2500;
	s15 =	simm.s32 @!p0 $0x100  }
0x110: {  	[tilespmem:s18], [sflag:$0x1] =	stream.indirect.gather @!p0 [hbm4b:s1+s17], $0x20, s15, s17, $0xb8;
	[tilespmem:$0x1EF00] =	vst v63  }
0x111: {  	s18 =	simm.s32 @!p0 $0x7500  }
0x112: {  	[tilespmem:s18], [sflag:$0x2] =	stream.indirect.gather @!p0 [hbm4b:s5+s17], $0x20, s15, s17, $0xb8;
	[tilespmem:$0x1EF00] =	vst v63  }
0x113: {  	s15 =	simm.s32 @!p0 $0x180;
	s18 =	simm.s32 @!p0 $0x3500  }
0x114: {  	[tilespmem:s18], [sflag:$0x1] =	stream.indirect.gather @!p0 [hbm4b:s1+s17], $0x20, s15, s17, $0xb8;
	[tilespmem:$0x1EF00] =	vst v63  }
0x115: {  	s18 =	simm.s32 @!p0 $0x8500  }
0x116: {  	[tilespmem:s18], [sflag:$0x2] =	stream.indirect.gather @!p0 [hbm4b:s5+s17], $0x20, s15, s17, $0xb8;
	[tilespmem:$0x1EF00] =	vst v63  }
0x117: {  	s15 =	simm.s32 @!p0 $0x200;
	s18 =	simm.s32 @!p0 $0x4500  }
0x118: {  	[tilespmem:s18], [sflag:$0x1] =	stream.indirect.gather @!p0 [hbm4b:s1+s17], $0x20, s15, s17, $0xb8;
	[tilespmem:$0x1EF00] =	vst v63  }
0x119: {  	s18 =	simm.s32 @!p0 $0x9500  }
0x11a: {  	[tilespmem:s18], [sflag:$0x2] =	stream.indirect.gather @!p0 [hbm4b:s5+s17], $0x20, s15, s17, $0xb8;
	[tilespmem:$0x1EF00] =	vst v63  }
0x11b: {  	_ =	swait.ge [sflag:s11], $0x5000  }
0x11c: {  	[sflag:s11] =	ssyncset.done $0x0  }
0x11d: {  	[sflag:s11] =	ssyncadd.s32 $0xFFFFB000  }
0x11e: {  	_ =	swait.ge [sflag:s30], $0x5000  }
0x11f: {  	[sflag:s30] =	ssyncset.done $0x0  }
0x120: {  	[sflag:s30] =	ssyncadd.s32 $0xFFFFB000  }
0x121: {  	_ =	swait.ge [sflag:s19], $0x1000  }
0x122: {  	[sflag:s19] =	ssyncset.done $0x0  }
0x123: {  	[sflag:s19] =	ssyncadd.s32 $0xFFFFF000  }
0x124: {  	_ =	swait.ge [sflag:s19], $0x1000  }
0x125: {  	[sflag:s19] =	ssyncset.done $0x0  }
0x126: {  	[sflag:s19] =	ssyncadd.s32 $0xFFFFF000  }
0x127: {  	_ =	swait.ge [sflag:s19], $0x1000  }
0x128: {  	[sflag:s19] =	ssyncset.done $0x0  }
0x129: {  	[sflag:s19] =	ssyncadd.s32 $0xFFFFF000  }
0x12a: {  	_ =	swait.ge [sflag:s19], $0x1000  }
0x12b: {  	[sflag:s19] =	ssyncset.done $0x0  }
0x12c: {  	[sflag:s19] =	ssyncadd.s32 $0xFFFFF000  }
0x12d: {  	s21 =	simm.s32 $0x0;
	_ =	swait.ge [sflag:s19], $0x1000  }
0x12e: {  	v10 =	vmov s21;
	[sflag:s19] =	ssyncset.done $0x0  }
0x12f: {  	v11 =	vand.u32 $0x7F, v10;
	s15 =	simm.s32 $0xC510;
	[sflag:s19] =	ssyncadd.s32 $0xFFFFF000  }
0x130: {  	v12 =	vadd.s32 v0, v11;
	v10 =	vld [tilespmem:s15+$0xFFFFDFF0];
	_ =	sdelay $0x4  }
0x131: {  	[tilespmem:v12+s22+$0x0] =	vst.idx.msk $0xffff, v10  }
0x132: {  	v12 =	vadd.s32 v1, v11;
	v10 =	vld [tilespmem:s15+$0xFFFFE000];
	_ =	sdelay $0x4  }
0x133: {  	[tilespmem:v12+s22+$0x0] =	vst.idx.msk $0xffff, v10  }
0x134: {  	v12 =	vadd.s32 v2, v11;
	v10 =	vld [tilespmem:s15+$0xFFFFEFF0];
	_ =	sdelay $0x4  }
0x135: {  	[tilespmem:v12+s22+$0x0] =	vst.idx.msk $0xffff, v10  }
0x136: {  	v12 =	vadd.s32 v3, v11;
	v10 =	vld [tilespmem:s15+$0xFFFFF000];
	_ =	sdelay $0x4  }
0x137: {  	[tilespmem:v12+s22+$0x0] =	vst.idx.msk $0xffff, v10  }
0x138: {  	v12 =	vadd.s32 v4, v11;
	v10 =	vld [tilespmem:s15+$0xFFFFFFF0];
	_ =	sdelay $0x4  }
0x139: {  	[tilespmem:v12+s22+$0x0] =	vst.idx.msk $0xffff, v10  }
0x13a: {  	v12 =	vadd.s32 v5, v11;
	v10 =	vld [tilespmem:s15+$0x0];
	_ =	sdelay $0x4  }
0x13b: {  	[tilespmem:v12+s22+$0x0] =	vst.idx.msk $0xffff, v10  }
0x13c: {  	v12 =	vadd.s32 v6, v11;
	v10 =	vld [tilespmem:s15+$0xFF0];
	_ =	sdelay $0x4  }
0x13d: {  	[tilespmem:v12+s22+$0x0] =	vst.idx.msk $0xffff, v10  }
0x13e: {  	v12 =	vadd.s32 v7, v11;
	v10 =	vld [tilespmem:s15+$0x1000];
	_ =	sdelay $0x4  }
0x13f: {  	[tilespmem:v12+s22+$0x0] =	vst.idx.msk $0xffff, v10  }
0x140: {  	v12 =	vadd.s32 v8, v11;
	v10 =	vld [tilespmem:s15+$0x1FF0];
	_ =	sdelay $0x4  }
0x141: {  	[tilespmem:v12+s22+$0x0] =	vst.idx.msk $0xffff, v10  }
0x142: {  	v11 =	vadd.s32 v9, v11;
	v10 =	vld [tilespmem:s15+$0x2000];
	_ =	sdelay $0x2  }
0x143: {  	s23 =	simm.s32 $0x1  }
0x144: {  	s17 =	simm.s32 $0x2;
	v12 =	vmov s23  }
.LBB2_11:
0x145: {  	p0 =	sne.s32 s17, $0x7F;
	v12 =	vand.u32 $0x7F, v12;
	[tilespmem:v11+s22+$0x0] =	vst.idx.msk $0xffff, v10;
	s15 =	sadd.s32 $0x20, s15  }
0x146: {  	v10 =	vld [tilespmem:s15+$0xFFFFDFF0];
	v11 =	vadd.s32 v0, v12;
	_ =	sdelay $0x4  }
0x147: {  	[tilespmem:v11+s22+$0x0] =	vst.idx.msk $0xffff, v10  }
0x148: {  	v11 =	vadd.s32 v1, v12;
	v10 =	vld [tilespmem:s15+$0xFFFFE000];
	_ =	sdelay $0x4  }
0x149: {  	[tilespmem:v11+s22+$0x0] =	vst.idx.msk $0xffff, v10  }
0x14a: {  	v11 =	vadd.s32 v2, v12;
	v10 =	vld [tilespmem:s15+$0xFFFFEFF0];
	_ =	sdelay $0x4  }
0x14b: {  	[tilespmem:v11+s22+$0x0] =	vst.idx.msk $0xffff, v10  }
0x14c: {  	v11 =	vadd.s32 v3, v12;
	v10 =	vld [tilespmem:s15+$0xFFFFF000];
	_ =	sdelay $0x4  }
0x14d: {  	[tilespmem:v11+s22+$0x0] =	vst.idx.msk $0xffff, v10  }
0x14e: {  	v11 =	vadd.s32 v4, v12;
	v10 =	vld [tilespmem:s15+$0xFFFFFFF0];
	_ =	sdelay $0x4  }
0x14f: {  	[tilespmem:v11+s22+$0x0] =	vst.idx.msk $0xffff, v10  }
0x150: {  	v11 =	vadd.s32 v5, v12;
	v10 =	vld [tilespmem:s15+$0x0];
	_ =	sdelay $0x4  }
0x151: {  	[tilespmem:v11+s22+$0x0] =	vst.idx.msk $0xffff, v10  }
0x152: {  	v11 =	vadd.s32 v6, v12;
	v10 =	vld [tilespmem:s15+$0xFF0];
	_ =	sdelay $0x4  }
0x153: {  	[tilespmem:v11+s22+$0x0] =	vst.idx.msk $0xffff, v10  }
0x154: {  	v11 =	vadd.s32 v7, v12;
	v10 =	vld [tilespmem:s15+$0x1000];
	_ =	sdelay $0x4  }
0x155: {  	[tilespmem:v11+s22+$0x0] =	vst.idx.msk $0xffff, v10  }
0x156: {  	v11 =	vadd.s32 v8, v12;
	v10 =	vld [tilespmem:s15+$0x1FF0];
	_ =	sdelay $0x4  }
0x157: {  	[tilespmem:v11+s22+$0x0] =	vst.idx.msk $0xffff, v10  }
.Ltmp4:
0x158: {  	v11 =	vadd.s32 v9, v12;
	v10 =	vld [tilespmem:s15+$0x2000];
	(pc) =	sbr.rel @p0 .LBB2_11-.Ltmp4, $2  }
0x159: {  	_ =	sdelay $0x2  }
0x15a: {  	v12 =	vmov s17;
	s17 =	sadd.s32 $0x1, s17  }
0x15b: {  	_ =	sdelay $0x3  }
0x15c: {  	v12 =	vand.u32 $0x7F, v12;
	[tilespmem:v11+s22+$0x0] =	vst.idx.msk $0xffff, v10;
	s15 =	sadd.s32 $0x20, s15  }
0x15d: {  	v10 =	vld [tilespmem:s15+$0xFFFFDFF0];
	v11 =	vadd.s32 v0, v12;
	_ =	sdelay $0x4  }
0x15e: {  	[tilespmem:v11+s22+$0x0] =	vst.idx.msk $0xffff, v10  }
0x15f: {  	v11 =	vadd.s32 v1, v12;
	v10 =	vld [tilespmem:s15+$0xFFFFE000];
	_ =	sdelay $0x4  }
0x160: {  	[tilespmem:v11+s22+$0x0] =	vst.idx.msk $0xffff, v10  }
0x161: {  	v11 =	vadd.s32 v2, v12;
	v10 =	vld [tilespmem:s15+$0xFFFFEFF0];
	_ =	sdelay $0x4  }
0x162: {  	[tilespmem:v11+s22+$0x0] =	vst.idx.msk $0xffff, v10  }
0x163: {  	v11 =	vadd.s32 v3, v12;
	v10 =	vld [tilespmem:s15+$0xFFFFF000];
	_ =	sdelay $0x4  }
0x164: {  	[tilespmem:v11+s22+$0x0] =	vst.idx.msk $0xffff, v10  }
0x165: {  	v11 =	vadd.s32 v4, v12;
	v10 =	vld [tilespmem:s15+$0xFFFFFFF0];
	_ =	sdelay $0x4  }
0x166: {  	[tilespmem:v11+s22+$0x0] =	vst.idx.msk $0xffff, v10  }
0x167: {  	v11 =	vadd.s32 v5, v12;
	v10 =	vld [tilespmem:s15+$0x0];
	_ =	sdelay $0x4  }
0x168: {  	[tilespmem:v11+s22+$0x0] =	vst.idx.msk $0xffff, v10  }
0x169: {  	v11 =	vadd.s32 v6, v12;
	v10 =	vld [tilespmem:s15+$0xFF0];
	_ =	sdelay $0x4  }
0x16a: {  	[tilespmem:v11+s22+$0x0] =	vst.idx.msk $0xffff, v10  }
0x16b: {  	v11 =	vadd.s32 v7, v12;
	v10 =	vld [tilespmem:s15+$0x1000];
	_ =	sdelay $0x4  }
0x16c: {  	[tilespmem:v11+s22+$0x0] =	vst.idx.msk $0xffff, v10  }
0x16d: {  	v11 =	vadd.s32 v8, v12;
	v10 =	vld [tilespmem:s15+$0x1FF0];
	_ =	sdelay $0x4  }
0x16e: {  	[tilespmem:v11+s22+$0x0] =	vst.idx.msk $0xffff, v10  }
0x16f: {  	v11 =	vadd.s32 v9, v12;
	v10 =	vld [tilespmem:s15+$0x2000]  }
0x170: {  	s3 =	smul.u32 $0xA0000, s3;
	_ =	sdelay $0x1  }
0x171: {  	s3 =	sor.u32 s7, s3  }
0x172: {  	s3 =	sshrl.u32 s3, $0x3  }
0x173: {  	s17 =	simm.s32 $0x14500;
	s15 =	sadd.s32 s6, s3;
	[tilespmem:v11+s22+$0x0] =	vst.idx.msk $0xffff, v10  }
0x174: {  	[hbm4b:s15+s2] =	stream.linear.scatter [tilespmem:s17], [sflag:$0x3], $0x80, $0x38;
	[tilespmem:$0x1EF00] =	vst v63  }
0x175: {  	s17 =	simm.s32 $0x220  }
.LBB2_13:
0x176: {  	p0 =	sne.s32 s17, $0x151E0  }
.Ltmp5:
0x177: {  	_ = 	snop;
	(pc) =	sbr.rel @p0 .LBB2_13-.Ltmp5, $4  }
0x178: {  	_ = 	snop  }
0x179: {  	s18 =	sshra.s32 s17, $0x2;
	s17 =	sadd.s32 $0x220, s17  }
0x17a: {  	s15 =	sadd.s32 $0x200, s15;
	s18 =	sadd.s32 $0x14500, s18  }
0x17b: {  	[hbm4b:s15+s2] =	stream.linear.scatter [tilespmem:s18], [sflag:$0x3], $0x80, $0x38;
	[tilespmem:$0x1EF00] =	vst v63  }
0x17c: {  	_ =	swait.ge [sflag:s9], $0x1000  }
0x17d: {  	[sflag:s9] =	ssyncset.done $0x0  }
0x17e: {  	[sflag:s9] =	ssyncadd.s32 $0xFFFFF000  }
0x17f: {  	_ =	swait.ge [sflag:s9], $0x1000  }
0x180: {  	[sflag:s9] =	ssyncset.done $0x0  }
0x181: {  	[sflag:s9] =	ssyncadd.s32 $0xFFFFF000  }
0x182: {  	_ =	swait.ge [sflag:s9], $0x1000  }
0x183: {  	[sflag:s9] =	ssyncset.done $0x0  }
0x184: {  	[sflag:s9] =	ssyncadd.s32 $0xFFFFF000  }
0x185: {  	_ =	swait.ge [sflag:s9], $0x1000  }
0x186: {  	[sflag:s9] =	ssyncset.done $0x0  }
0x187: {  	[sflag:s9] =	ssyncadd.s32 $0xFFFFF000  }
0x188: {  	s15 =	simm.s32 $0x0;
	_ =	swait.ge [sflag:s9], $0x1000  }
0x189: {  	v10 =	vmov s15;
	[sflag:s9] =	ssyncset.done $0x0  }
0x18a: {  	s18 =	simm.s32 $0x0;
	v11 =	vand.u32 $0x7F, v10;
	[sflag:s9] =	ssyncadd.s32 $0xFFFFF000  }
0x18b: {  	v12 =	vadd.s32 v0, v11;
	v10 =	vld [tilespmem:s18+$0xF500];
	_ =	sdelay $0x4  }
0x18c: {  	[tilespmem:v12+s25+$0x0] =	vst.idx.msk $0xffff, v10  }
0x18d: {  	v12 =	vadd.s32 v1, v11;
	v10 =	vld [tilespmem:s18+$0xF510];
	_ =	sdelay $0x4  }
0x18e: {  	[tilespmem:v12+s25+$0x0] =	vst.idx.msk $0xffff, v10  }
0x18f: {  	v12 =	vadd.s32 v2, v11;
	v10 =	vld [tilespmem:s18+$0x10500];
	_ =	sdelay $0x4  }
0x190: {  	[tilespmem:v12+s25+$0x0] =	vst.idx.msk $0xffff, v10  }
0x191: {  	v12 =	vadd.s32 v3, v11;
	v10 =	vld [tilespmem:s18+$0x10510];
	_ =	sdelay $0x4  }
0x192: {  	[tilespmem:v12+s25+$0x0] =	vst.idx.msk $0xffff, v10  }
0x193: {  	v12 =	vadd.s32 v4, v11;
	v10 =	vld [tilespmem:s18+$0x11500];
	_ =	sdelay $0x4  }
0x194: {  	[tilespmem:v12+s25+$0x0] =	vst.idx.msk $0xffff, v10  }
0x195: {  	v12 =	vadd.s32 v5, v11;
	v10 =	vld [tilespmem:s18+$0x11510];
	_ =	sdelay $0x4  }
0x196: {  	[tilespmem:v12+s25+$0x0] =	vst.idx.msk $0xffff, v10  }
0x197: {  	v12 =	vadd.s32 v6, v11;
	v10 =	vld [tilespmem:s18+$0x12500];
	_ =	sdelay $0x4  }
0x198: {  	[tilespmem:v12+s25+$0x0] =	vst.idx.msk $0xffff, v10  }
0x199: {  	v12 =	vadd.s32 v7, v11;
	v10 =	vld [tilespmem:s18+$0x12510];
	_ =	sdelay $0x4  }
0x19a: {  	[tilespmem:v12+s25+$0x0] =	vst.idx.msk $0xffff, v10  }
0x19b: {  	v12 =	vadd.s32 v8, v11;
	v10 =	vld [tilespmem:s18+$0x13500];
	_ =	sdelay $0x4  }
0x19c: {  	[tilespmem:v12+s25+$0x0] =	vst.idx.msk $0xffff, v10  }
0x19d: {  	v11 =	vadd.s32 v9, v11;
	v10 =	vld [tilespmem:s18+$0x13510];
	_ =	sdelay $0x2  }
0x19e: {  	s15 =	simm.s32 $0x1  }
0x19f: {  	s17 =	simm.s32 $0x80;
	v12 =	vmov s15;
	s18 =	simm.s32 $0x100  }
.LBB2_15:
0x1a0: {  	p0 =	sne.s32 s18, $0x3F80;
	s21 =	sshra.s32 s17, $0x2;
	v12 =	vand.u32 $0x7F, v12;
	[tilespmem:v11+s25+$0x0] =	vst.idx.msk $0xffff, v10;
	s17 =	smov.u32 s18  }
0x1a1: {  	v10 =	vld [tilespmem:s21+$0xF500];
	v11 =	vadd.s32 v0, v12;
	_ =	sdelay $0x4  }
0x1a2: {  	[tilespmem:v11+s25+$0x0] =	vst.idx.msk $0xffff, v10  }
0x1a3: {  	v11 =	vadd.s32 v1, v12;
	v10 =	vld [tilespmem:s21+$0xF510];
	_ =	sdelay $0x4  }
0x1a4: {  	[tilespmem:v11+s25+$0x0] =	vst.idx.msk $0xffff, v10  }
0x1a5: {  	v11 =	vadd.s32 v2, v12;
	v10 =	vld [tilespmem:s21+$0x10500];
	_ =	sdelay $0x4  }
0x1a6: {  	[tilespmem:v11+s25+$0x0] =	vst.idx.msk $0xffff, v10  }
0x1a7: {  	v11 =	vadd.s32 v3, v12;
	v10 =	vld [tilespmem:s21+$0x10510];
	_ =	sdelay $0x4  }
0x1a8: {  	[tilespmem:v11+s25+$0x0] =	vst.idx.msk $0xffff, v10  }
0x1a9: {  	v11 =	vadd.s32 v4, v12;
	v10 =	vld [tilespmem:s21+$0x11500];
	_ =	sdelay $0x4  }
0x1aa: {  	[tilespmem:v11+s25+$0x0] =	vst.idx.msk $0xffff, v10  }
0x1ab: {  	v11 =	vadd.s32 v5, v12;
	v10 =	vld [tilespmem:s21+$0x11510];
	_ =	sdelay $0x4  }
0x1ac: {  	[tilespmem:v11+s25+$0x0] =	vst.idx.msk $0xffff, v10  }
0x1ad: {  	v11 =	vadd.s32 v6, v12;
	v10 =	vld [tilespmem:s21+$0x12500];
	_ =	sdelay $0x4  }
0x1ae: {  	[tilespmem:v11+s25+$0x0] =	vst.idx.msk $0xffff, v10  }
0x1af: {  	v11 =	vadd.s32 v7, v12;
	v10 =	vld [tilespmem:s21+$0x12510];
	_ =	sdelay $0x4  }
0x1b0: {  	[tilespmem:v11+s25+$0x0] =	vst.idx.msk $0xffff, v10  }
0x1b1: {  	v11 =	vadd.s32 v8, v12;
	v10 =	vld [tilespmem:s21+$0x13500];
	_ =	sdelay $0x4  }
0x1b2: {  	[tilespmem:v11+s25+$0x0] =	vst.idx.msk $0xffff, v10  }
.Ltmp6:
0x1b3: {  	v11 =	vadd.s32 v9, v12;
	v10 =	vld [tilespmem:s21+$0x13510];
	(pc) =	sbr.rel @p0 .LBB2_15-.Ltmp6, $3  }
0x1b4: {  	_ =	sdelay $0x1  }
0x1b5: {  	s15 =	sadd.s32 $0x1, s15  }
0x1b6: {  	s18 =	sadd.s32 $0x80, s18;
	v12 =	vmov s15  }
0x1b7: {  	_ =	sdelay $0x3  }
0x1b8: {  	s15 =	sshra.s32 s17, $0x2;
	v12 =	vand.u32 $0x7F, v12;
	[tilespmem:v11+s25+$0x0] =	vst.idx.msk $0xffff, v10  }
0x1b9: {  	v10 =	vld [tilespmem:s15+$0xF500];
	v11 =	vadd.s32 v0, v12;
	_ =	sdelay $0x4  }
0x1ba: {  	[tilespmem:v11+s25+$0x0] =	vst.idx.msk $0xffff, v10  }
0x1bb: {  	v11 =	vadd.s32 v1, v12;
	v10 =	vld [tilespmem:s15+$0xF510];
	_ =	sdelay $0x4  }
0x1bc: {  	[tilespmem:v11+s25+$0x0] =	vst.idx.msk $0xffff, v10  }
0x1bd: {  	v11 =	vadd.s32 v2, v12;
	v10 =	vld [tilespmem:s15+$0x10500];
	_ =	sdelay $0x4  }
0x1be: {  	[tilespmem:v11+s25+$0x0] =	vst.idx.msk $0xffff, v10  }
0x1bf: {  	v11 =	vadd.s32 v3, v12;
	v10 =	vld [tilespmem:s15+$0x10510];
	_ =	sdelay $0x4  }
0x1c0: {  	[tilespmem:v11+s25+$0x0] =	vst.idx.msk $0xffff, v10  }
0x1c1: {  	v11 =	vadd.s32 v4, v12;
	v10 =	vld [tilespmem:s15+$0x11500];
	_ =	sdelay $0x4  }
0x1c2: {  	[tilespmem:v11+s25+$0x0] =	vst.idx.msk $0xffff, v10  }
0x1c3: {  	v11 =	vadd.s32 v5, v12;
	v10 =	vld [tilespmem:s15+$0x11510];
	_ =	sdelay $0x4  }
0x1c4: {  	[tilespmem:v11+s25+$0x0] =	vst.idx.msk $0xffff, v10  }
0x1c5: {  	v11 =	vadd.s32 v6, v12;
	v10 =	vld [tilespmem:s15+$0x12500];
	_ =	sdelay $0x4  }
0x1c6: {  	[tilespmem:v11+s25+$0x0] =	vst.idx.msk $0xffff, v10  }
0x1c7: {  	v11 =	vadd.s32 v7, v12;
	v10 =	vld [tilespmem:s15+$0x12510];
	_ =	sdelay $0x4  }
0x1c8: {  	[tilespmem:v11+s25+$0x0] =	vst.idx.msk $0xffff, v10  }
0x1c9: {  	v11 =	vadd.s32 v8, v12;
	v10 =	vld [tilespmem:s15+$0x13500];
	_ =	sdelay $0x4  }
0x1ca: {  	[tilespmem:v11+s25+$0x0] =	vst.idx.msk $0xffff, v10  }
0x1cb: {  	v11 =	vadd.s32 v9, v12;
	v10 =	vld [tilespmem:s15+$0x13510];
	_ =	sdelay $0x4  }
0x1cc: {  	s3 =	sadd.s32 s8, s3;
	s23 =	simm.s32 $0x19A00;
	s15 =	simm.s32 $0x220;
	[tilespmem:v11+s25+$0x0] =	vst.idx.msk $0xffff, v10  }
0x1cd: {  	[hbm4b:s3+s2] =	stream.linear.scatter [tilespmem:s23], [sflag:$0x4], $0x80, $0x38;
	[tilespmem:$0x1EF00] =	vst v63  }
.LBB2_17:
0x1ce: {  	p0 =	sne.s32 s15, $0x151E0  }
.Ltmp7:
0x1cf: {  	_ = 	snop;
	(pc) =	sbr.rel @p0 .LBB2_17-.Ltmp7, $4  }
0x1d0: {  	_ = 	snop  }
0x1d1: {  	s17 =	sshra.s32 s15, $0x2;
	s15 =	sadd.s32 $0x220, s15  }
0x1d2: {  	s3 =	sadd.s32 $0x200, s3;
	s17 =	sadd.s32 $0x19A00, s17  }
0x1d3: {  	[hbm4b:s3+s2] =	stream.linear.scatter [tilespmem:s17], [sflag:$0x4], $0x80, $0x38;
	[tilespmem:$0x1EF00] =	vst v63  }
0x1d4: {  	s31 =	sadd.s32 $0x1, s31  }
0x1d5: {  	p0 =	sne.s32 s31, $0x14  }
.Ltmp8:
0x1d6: {  	_ = 	snop;
	(pc) =	sbr.rel @p0 .LBB2_2-.Ltmp8, $1  }
0x1d7: {  	_ =	sdelay $0x3  }
0x1d8: {  	_ =	swait.ge [sflag:s11], $0x5000  }
0x1d9: {  	[sflag:s11] =	ssyncset.done $0x0  }
0x1da: {  	[sflag:s11] =	ssyncadd.s32 $0xFFFFB000  }
0x1db: {  	_ =	swait.ge [sflag:s30], $0x5000  }
0x1dc: {  	s15 =	rddreg [dreg:$0x5]  }
0x1dd: {  	s3 =	rddreg [dreg:$0x4];
	s15 =	sadd.s32 $0x1, s15  }
0x1de: {  	p0 =	sne.s32 s15, s3  }
.Ltmp9:
0x1df: {  	_ = 	snop;
	(pc) =	sbr.rel @p0 .LBB2_1-.Ltmp9, $3  }
0x1e0: {  	_ =	sdelay $0x1  }
0x1e1: {  	[sflag:s30] =	ssyncset.done $0x0  }
0x1e2: {  	[sflag:s30] =	ssyncadd.s32 $0xFFFFB000  }
0x1e3: {  	_ =	sfence.sel $0x180000  }
0x1e4: {  	[bflag:$0x0] =	sbarrier.arrive $0xFFFF  }
0x1e5: {  	_ =	strace $0x90000047  }
0x1e6: {  	s0 =	stileid.u32;
	[bflag:$0x2] =	sbarrier.arrive $0xFFFF  }
0x1e7: {  	p0 =	sne.s32 s0, $0x0;
	s0 =	rddreg [dreg:$0x2]  }
0x1e8: {  	s0 =	sadd.s32 @!p0 $0x100000, s0  }
0x1e9: {  	[sflag:s0] =	ssyncadd.tile.s32 @!p0 $0x1;
	_ =	shalt  }
.Lfunc_end2:
_tile_overlayer_lowered:
.L_overlay_start_2:
0x1ea: {  	(tag) =	ssettag $0x2  }
0x1eb: {  	s0 =	rddreg [dreg:$0x0];
	s2 =	stileid.u32  }
0x1ec: {  	s1 =	rddreg [dreg:$0x1];
	p0 =	sne.s32 s2, $0x0  }
0x1ed: {  	s3 =	rddreg [dreg:$0x2];
	[bflag:$0x3] =	sbarrier.arrive $0xFFFF;
	s2 =	simm.s32 @!p0 $0x1C05  }
0x1ee: {  	[timem:s3], [sflag:s2] =	dma.local @!p0 [hbm:s0], s1  }
0x1ef: {  	s0 =	simm.s32 @!p0 $0x5  }
0x1f0: {  	_ =	swait.ge @!p0 [sflag:s0], s1  }
0x1f1: {  	s1 =	ssub.s32 @!p0 $0x0, s1;
	[sflag:s0] =	ssyncset.done @!p0 $0x0  }
0x1f2: {  	[sflag:s0] =	ssyncadd.s32 @!p0 s1  }
0x1f3: {  	[bflag:$0x3] =	sbarrier.arrive $0xFFFF  }
0x1f4: {  	_ =	shalt  }

</sc_bundles>
